<compile_context>
chip_gen: v7x
topology: tpu7x:2x2x1
jax: 0.10.2.dev20260603
libtpu: 0.0.44.dev20260713+nightly
codegen_flags: <defaults>
</compile_context>

<pallas_src>
import functools

import jax
import jax.numpy as jnp
from jax import lax
from jax.experimental import pallas as pl
from jax.experimental.pallas import tpu as pltpu
from jax.experimental.pallas import tpu_sc as plsc

_NC = 2
_NS = 16
_NW = _NC * _NS
_SCHED = (16, 80, 80, 80)
_BUFROWS = 80
_NBUF = 2


@functools.partial(jax.jit, static_argnums=(0, 1, 2))
def _build_and_run(batch, seq_len, embed, table, pos):
    mesh = plsc.VectorSubcoreMesh(core_axis_name="c", subcore_axis_name="s")
    nchunk = len(_SCHED)
    offs = [sum(_SCHED[:i]) for i in range(nchunk)]
    rpw = sum(_SCHED)

    @functools.partial(
        pl.kernel,
        out_type=jax.ShapeDtypeStruct((batch * seq_len, embed), jnp.float32),
        mesh=mesh,
        scratch_types=(
            [pltpu.VMEM((rpw,), jnp.int32)]
            + [pltpu.VMEM((_BUFROWS, embed), jnp.float32)] * _NBUF
            + [pltpu.SemaphoreType.DMA] * (2 * _NBUF)
        ),
    )
    def pos_embed(table_hbm, pos_hbm, out_hbm, idx_v, *rest):
        bufs = rest[:_NBUF]
        gsems = rest[_NBUF:2 * _NBUF]
        wsems = rest[2 * _NBUF:]
        wid = lax.axis_index("s") * _NC + lax.axis_index("c")
        base = wid * rpw
        pltpu.sync_copy(pos_hbm.at[wid], idx_v)

        def gather(i):
            rows = _SCHED[i]
            sl = i % _NBUF
            return pltpu.async_copy(
                table_hbm.at[idx_v.at[pl.ds(offs[i], rows)]],
                bufs[sl].at[pl.ds(0, rows)], gsems[sl])

        gh = [None] * nchunk
        wh = [[] for _ in range(nchunk)]
        for j in range(_NBUF - 1):
            gh[j] = gather(j)
        for i in range(nchunk):
            rows = _SCHED[i]
            sl = i % _NBUF
            if i >= 1:
                for h in wh[i - 1]:
                    h.wait()
            if i + 1 < nchunk:
                gh[i + 1] = gather(i + 1)
            gh[i].wait()
            for b in range(batch):
                wh[i].append(pltpu.async_copy(
                    bufs[sl].at[pl.ds(0, rows)],
                    out_hbm.at[pl.ds(b * seq_len + base + offs[i], rows)],
                    wsems[sl]))
        for h in wh[nchunk - 1]:
            h.wait()

    return pos_embed(table, pos)


def kernel(inputs, length, table):
    batch, seq_len = inputs.shape
    vocab, embed = table.shape
    pos = jnp.clip(
        jnp.arange(seq_len, dtype=jnp.int32) + jnp.asarray(length, jnp.int32),
        0, vocab - 1)
    pos = pos.reshape(_NW, seq_len // _NW)
    out = _build_and_run(batch, seq_len, embed, table, pos)
    return out.reshape(batch, seq_len, embed)

# --- scband reference (transcript-rebuilt; emitter-appended) ---
"""Pipeline reference for scband-positional-embedding-34333968564681 (READ-ONLY COPY).

The authoritative reference and input builder live on the scoring server;
editing this copy changes nothing except your own understanding.
"""

import jax, jax.numpy as jnp
import numpy as np

SEQ_LEN = 8192
EMBED = 768
BATCH = 4

def setup_inputs(seed: int = 0) -> dict:
    key = jax.random.key(seed)
    k_inp, k_tab = jax.random.split(key)
    # token indices: only their shape matters for this layer, but fill per spec
    inputs = jax.random.randint(k_inp, (BATCH, SEQ_LEN), 0, SEQ_LEN, dtype=jnp.int64 if jax.config.jax_enable_x64 else jnp.int32)
    # learned positional embedding table [seq_len, embedding_size]
    table = jax.random.normal(k_tab, (SEQ_LEN, EMBED), dtype=jnp.float32) * 0.02
    return {"inputs": inputs, "length": 0, "table": table}

def reference(inputs, length, table):
    # Faithful translation of PositionalEmbedding.call:
    #   seq = arange(length, length+seq_len) reshaped (1, seq_len)
    #   einsum('bi,xi->bi', ones(bsz,seq_len), seq) broadcasts positions to each row
    #   embedding lookup -> [bsz, seq_len, embedding_size]
    bsz, seq_len = inputs.shape[0], inputs.shape[1]
    ones = jnp.ones((bsz, seq_len), dtype=jnp.float32)
    seq = (jnp.arange(seq_len) + length).reshape(1, seq_len)
    pos = jnp.einsum('bi,xi->bi', ones, seq.astype(jnp.float32)).astype(jnp.int32)
    y = jnp.take(table, pos, axis=0)  # gather: [bsz, seq_len, embed]
    return y

if __name__ == "__main__":
    import jax
    _d = setup_inputs()
    print(jax.jit(kernel)(*tuple(_d.values())))

</pallas_src>

<mosaic_0001>
#map = affine_map<(d0, d1) -> (0, 0)>
module attributes {stable_mosaic.version = 14 : i64} {
  func.func @pos_embed(%arg0: i32, %arg1: i32, %arg2: memref<8192x768xf32, #tpu.memory_space<hbm>>, %arg3: memref<32x256xi32, #tpu.memory_space<hbm>>, %arg4: memref<32768x768xf32, #tpu.memory_space<hbm>>, %arg5: memref<256xi32, #tpu.memory_space<vmem>>, %arg6: memref<80x768xf32, #tpu.memory_space<vmem>>, %arg7: memref<80x768xf32, #tpu.memory_space<vmem>>, %arg8: memref<!tpu.dma_semaphore, #tpu.memory_space<semaphore_mem>>, %arg9: memref<!tpu.dma_semaphore, #tpu.memory_space<semaphore_mem>>, %arg10: memref<!tpu.dma_semaphore, #tpu.memory_space<semaphore_mem>>, %arg11: memref<!tpu.dma_semaphore, #tpu.memory_space<semaphore_mem>>) attributes {dimension_semantics = [#tpu.dimension_semantics<core_parallel>, #tpu.dimension_semantics<subcore_parallel>], iteration_bounds = array<i64: 2, 16>, scalar_prefetch = 0 : i64, scratch_operands = 7 : i64, tpu.core_type = #tpu.core_type<sc_vector_subcore>, window_params = [{transform_indices = #map}, {transform_indices = #map}, {transform_indices = #map}]} {
    %mul3A = arith.constant 2 : i32
    %mul3A_0 = arith.muli %arg1, %mul3A : i32
    %add3A = arith.addi %mul3A_0, %arg0 : i32
    %mul3A_1 = arith.constant 256 : i32
    %mul3A_2 = arith.muli %add3A, %mul3A_1 : i32
    "tpu.region"() ({
      %run_scoped3A = tpu.sem_alloc : memref<!tpu.dma_semaphore, #tpu.memory_space<semaphore_mem>>
      %dma_start3A_449 = arith.constant 0 : i32
      %dma_start3A_450 = tpu.memref_slice %arg3[%add3A, %dma_start3A_449] : memref<32x256xi32, #tpu.memory_space<hbm>> -> memref<1x256xi32, #tpu.memory_space<hbm>>
      %dma_start3A_451 = tpu.memref_squeeze %dma_start3A_450 : memref<1x256xi32, #tpu.memory_space<hbm>> -> memref<256xi32, #tpu.memory_space<hbm>>
      %dma_start3A_452 = arith.constant 0 : i32
      %dma_start3A_453 = tpu.memref_slice %arg3[%add3A, %dma_start3A_452] : memref<32x256xi32, #tpu.memory_space<hbm>> -> memref<1x256xi32, #tpu.memory_space<hbm>>
      %dma_start3A_454 = tpu.memref_squeeze %dma_start3A_453 : memref<1x256xi32, #tpu.memory_space<hbm>> -> memref<256xi32, #tpu.memory_space<hbm>>
      tpu.enqueue_dma source(%dma_start3A_454 : memref<256xi32, #tpu.memory_space<hbm>>) target(%arg5 : memref<256xi32, #tpu.memory_space<vmem>>) target_semaphore(%run_scoped3A : memref<!tpu.dma_semaphore, #tpu.memory_space<semaphore_mem>>)
      %dma_wait3A_455 = arith.constant 0 : i32
      %dma_wait3A_456 = tpu.memref_slice %arg3[%add3A, %dma_wait3A_455] : memref<32x256xi32, #tpu.memory_space<hbm>> -> memref<1x256xi32, #tpu.memory_space<hbm>>
      %dma_wait3A_457 = tpu.memref_squeeze %dma_wait3A_456 : memref<1x256xi32, #tpu.memory_space<hbm>> -> memref<256xi32, #tpu.memory_space<hbm>>
      %dma_wait3A_458 = arith.constant 0 : i32
      %dma_wait3A_459 = tpu.memref_slice %arg3[%add3A, %dma_wait3A_458] : memref<32x256xi32, #tpu.memory_space<hbm>> -> memref<1x256xi32, #tpu.memory_space<hbm>>
      %dma_wait3A_460 = tpu.memref_squeeze %dma_wait3A_459 : memref<1x256xi32, #tpu.memory_space<hbm>> -> memref<256xi32, #tpu.memory_space<hbm>>
      tpu.wait_dma2 semaphore(%run_scoped3A : memref<!tpu.dma_semaphore, #tpu.memory_space<semaphore_mem>>) src(%dma_wait3A_460 : memref<256xi32, #tpu.memory_space<hbm>>) dst(%arg5 : memref<256xi32, #tpu.memory_space<vmem>>)
      tpu.yield
    }) : () -> ()
    %dma_start3A = arith.constant 0 : i32
    %dma_start3A_3 = arith.constant 0 : i32
    %dma_start3A_4 = tpu.memref_slice %arg6[%dma_start3A, %dma_start3A_3] : memref<80x768xf32, #tpu.memory_space<vmem>> -> memref<16x768xf32, #tpu.memory_space<vmem>>
    %dma_start3A_5 = arith.constant 0 : i32
    %dma_start3A_6 = tpu.memref_slice %arg5[%dma_start3A_5] : memref<256xi32, #tpu.memory_space<vmem>> -> memref<16xi32, #tpu.memory_space<vmem>>
    %dma_start3A_7 = arith.constant 0 : i32
    %dma_start3A_8 = arith.constant 0 : i32
    %dma_start3A_9 = tpu.memref_slice %arg2[%dma_start3A_7, %dma_start3A_8] : memref<8192x768xf32, #tpu.memory_space<hbm>> -> memref<8192x768xf32, #tpu.memory_space<hbm>>
    tpu.enqueue_indirect_dma source(%dma_start3A_9 : memref<8192x768xf32, #tpu.memory_space<hbm>>) target(%dma_start3A_4 : memref<16x768xf32, #tpu.memory_space<vmem>>) offsets(%dma_start3A_6 : memref<16xi32, #tpu.memory_space<vmem>>) semaphore(%arg8 : memref<!tpu.dma_semaphore, #tpu.memory_space<semaphore_mem>>)
    %dma_start3A_10 = arith.constant 0 : i32
    %dma_start3A_11 = arith.constant 0 : i32
    %dma_start3A_12 = tpu.memref_slice %arg7[%dma_start3A_10, %dma_start3A_11] : memref<80x768xf32, #tpu.memory_space<vmem>> -> memref<80x768xf32, #tpu.memory_space<vmem>>
    %dma_start3A_13 = arith.constant 16 : i32
    %dma_start3A_14 = tpu.memref_slice %arg5[%dma_start3A_13] : memref<256xi32, #tpu.memory_space<vmem>> -> memref<80xi32, #tpu.memory_space<vmem>>
    %dma_start3A_15 = arith.constant 0 : i32
    %dma_start3A_16 = arith.constant 0 : i32
    %dma_start3A_17 = tpu.memref_slice %arg2[%dma_start3A_15, %dma_start3A_16] : memref<8192x768xf32, #tpu.memory_space<hbm>> -> memref<8192x768xf32, #tpu.memory_space<hbm>>
    tpu.enqueue_indirect_dma source(%dma_start3A_17 : memref<8192x768xf32, #tpu.memory_space<hbm>>) target(%dma_start3A_12 : memref<80x768xf32, #tpu.memory_space<vmem>>) offsets(%dma_start3A_14 : memref<80xi32, #tpu.memory_space<vmem>>) semaphore(%arg9 : memref<!tpu.dma_semaphore, #tpu.memory_space<semaphore_mem>>)
    %dma_wait3A = arith.constant 0 : i32
    %dma_wait3A_18 = arith.constant 0 : i32
    %dma_wait3A_19 = tpu.memref_slice %arg6[%dma_wait3A, %dma_wait3A_18] : memref<80x768xf32, #tpu.memory_space<vmem>> -> memref<16x768xf32, #tpu.memory_space<vmem>>
    %dma_wait3A_20 = arith.constant 0 : i32
    %dma_wait3A_21 = tpu.memref_slice %arg5[%dma_wait3A_20] : memref<256xi32, #tpu.memory_space<vmem>> -> memref<16xi32, #tpu.memory_space<vmem>>
    %dma_wait3A_22 = arith.constant 0 : i32
    %dma_wait3A_23 = arith.constant 0 : i32
    %dma_wait3A_24 = tpu.memref_slice %arg2[%dma_wait3A_22, %dma_wait3A_23] : memref<8192x768xf32, #tpu.memory_space<hbm>> -> memref<8192x768xf32, #tpu.memory_space<hbm>>
    tpu.wait_indirect_dma semaphore(%arg8 : memref<!tpu.dma_semaphore, #tpu.memory_space<semaphore_mem>>) src(%dma_wait3A_24 : memref<8192x768xf32, #tpu.memory_space<hbm>>) dst(%dma_wait3A_19 : memref<16x768xf32, #tpu.memory_space<vmem>>)
    %add3A_25 = arith.constant 0 : i32
    %add3A_26 = arith.addi %add3A_25, %mul3A_2 : i32
    %add3A_27 = arith.constant 0 : i32
    %add3A_28 = arith.addi %add3A_26, %add3A_27 : i32
    %dma_start3A_29 = arith.constant 0 : i32
    %dma_start3A_30 = arith.constant 0 : i32
    %dma_start3A_31 = tpu.memref_slice %arg6[%dma_start3A_29, %dma_start3A_30] : memref<80x768xf32, #tpu.memory_space<vmem>> -> memref<16x768xf32, #tpu.memory_space<vmem>>
    %dma_start3A_32 = arith.constant 0 : i32
    %dma_start3A_33 = tpu.memref_slice %arg4[%add3A_28, %dma_start3A_32] : memref<32768x768xf32, #tpu.memory_space<hbm>> -> memref<16x768xf32, #tpu.memory_space<hbm>>
    %dma_start3A_34 = arith.constant 0 : i32
    %dma_start3A_35 = tpu.memref_slice %arg4[%add3A_28, %dma_start3A_34] : memref<32768x768xf32, #tpu.memory_space<hbm>> -> memref<16x768xf32, #tpu.memory_space<hbm>>
    %dma_start3A_36 = arith.constant 0 : i32
    %dma_start3A_37 = arith.constant 0 : i32
    %dma_start3A_38 = tpu.memref_slice %arg6[%dma_start3A_36, %dma_start3A_37] : memref<80x768xf32, #tpu.memory_space<vmem>> -> memref<16x768xf32, #tpu.memory_space<vmem>>
    tpu.enqueue_dma source(%dma_start3A_38 : memref<16x768xf32, #tpu.memory_space<vmem>>) target(%dma_start3A_35 : memref<16x768xf32, #tpu.memory_space<hbm>>) target_semaphore(%arg10 : memref<!tpu.dma_semaphore, #tpu.memory_space<semaphore_mem>>)
    %add3A_39 = arith.constant 8192 : i32
    %add3A_40 = arith.addi %add3A_39, %mul3A_2 : i32
    %add3A_41 = arith.constant 0 : i32
    %add3A_42 = arith.addi %add3A_40, %add3A_41 : i32
    %dma_start3A_43 = arith.constant 0 : i32
    %dma_start3A_44 = arith.constant 0 : i32
    %dma_start3A_45 = tpu.memref_slice %arg6[%dma_start3A_43, %dma_start3A_44] : memref<80x768xf32, #tpu.memory_space<vmem>> -> memref<16x768xf32, #tpu.memory_space<vmem>>
    %dma_start3A_46 = arith.constant 0 : i32
    %dma_start3A_47 = tpu.memref_slice %arg4[%add3A_42, %dma_start3A_46] : memref<32768x768xf32, #tpu.memory_space<hbm>> -> memref<16x768xf32, #tpu.memory_space<hbm>>
    %dma_start3A_48 = arith.constant 0 : i32
    %dma_start3A_49 = tpu.memref_slice %arg4[%add3A_42, %dma_start3A_48] : memref<32768x768xf32, #tpu.memory_space<hbm>> -> memref<16x768xf32, #tpu.memory_space<hbm>>
    %dma_start3A_50 = arith.constant 0 : i32
    %dma_start3A_51 = arith.constant 0 : i32
    %dma_start3A_52 = tpu.memref_slice %arg6[%dma_start3A_50, %dma_start3A_51] : memref<80x768xf32, #tpu.memory_space<vmem>> -> memref<16x768xf32, #tpu.memory_space<vmem>>
    tpu.enqueue_dma source(%dma_start3A_52 : memref<16x768xf32, #tpu.memory_space<vmem>>) target(%dma_start3A_49 : memref<16x768xf32, #tpu.memory_space<hbm>>) target_semaphore(%arg10 : memref<!tpu.dma_semaphore, #tpu.memory_space<semaphore_mem>>)
    %add3A_53 = arith.constant 16384 : i32
    %add3A_54 = arith.addi %add3A_53, %mul3A_2 : i32
    %add3A_55 = arith.constant 0 : i32
    %add3A_56 = arith.addi %add3A_54, %add3A_55 : i32
    %dma_start3A_57 = arith.constant 0 : i32
    %dma_start3A_58 = arith.constant 0 : i32
    %dma_start3A_59 = tpu.memref_slice %arg6[%dma_start3A_57, %dma_start3A_58] : memref<80x768xf32, #tpu.memory_space<vmem>> -> memref<16x768xf32, #tpu.memory_space<vmem>>
    %dma_start3A_60 = arith.constant 0 : i32
    %dma_start3A_61 = tpu.memref_slice %arg4[%add3A_56, %dma_start3A_60] : memref<32768x768xf32, #tpu.memory_space<hbm>> -> memref<16x768xf32, #tpu.memory_space<hbm>>
    %dma_start3A_62 = arith.constant 0 : i32
    %dma_start3A_63 = tpu.memref_slice %arg4[%add3A_56, %dma_start3A_62] : memref<32768x768xf32, #tpu.memory_space<hbm>> -> memref<16x768xf32, #tpu.memory_space<hbm>>
    %dma_start3A_64 = arith.constant 0 : i32
    %dma_start3A_65 = arith.constant 0 : i32
    %dma_start3A_66 = tpu.memref_slice %arg6[%dma_start3A_64, %dma_start3A_65] : memref<80x768xf32, #tpu.memory_space<vmem>> -> memref<16x768xf32, #tpu.memory_space<vmem>>
    tpu.enqueue_dma source(%dma_start3A_66 : memref<16x768xf32, #tpu.memory_space<vmem>>) target(%dma_start3A_63 : memref<16x768xf32, #tpu.memory_space<hbm>>) target_semaphore(%arg10 : memref<!tpu.dma_semaphore, #tpu.memory_space<semaphore_mem>>)
    %add3A_67 = arith.constant 24576 : i32
    %add3A_68 = arith.addi %add3A_67, %mul3A_2 : i32
    %add3A_69 = arith.constant 0 : i32
    %add3A_70 = arith.addi %add3A_68, %add3A_69 : i32
    %dma_start3A_71 = arith.constant 0 : i32
    %dma_start3A_72 = arith.constant 0 : i32
    %dma_start3A_73 = tpu.memref_slice %arg6[%dma_start3A_71, %dma_start3A_72] : memref<80x768xf32, #tpu.memory_space<vmem>> -> memref<16x768xf32, #tpu.memory_space<vmem>>
    %dma_start3A_74 = arith.constant 0 : i32
    %dma_start3A_75 = tpu.memref_slice %arg4[%add3A_70, %dma_start3A_74] : memref<32768x768xf32, #tpu.memory_space<hbm>> -> memref<16x768xf32, #tpu.memory_space<hbm>>
    %dma_start3A_76 = arith.constant 0 : i32
    %dma_start3A_77 = tpu.memref_slice %arg4[%add3A_70, %dma_start3A_76] : memref<32768x768xf32, #tpu.memory_space<hbm>> -> memref<16x768xf32, #tpu.memory_space<hbm>>
    %dma_start3A_78 = arith.constant 0 : i32
    %dma_start3A_79 = arith.constant 0 : i32
    %dma_start3A_80 = tpu.memref_slice %arg6[%dma_start3A_78, %dma_start3A_79] : memref<80x768xf32, #tpu.memory_space<vmem>> -> memref<16x768xf32, #tpu.memory_space<vmem>>
    tpu.enqueue_dma source(%dma_start3A_80 : memref<16x768xf32, #tpu.memory_space<vmem>>) target(%dma_start3A_77 : memref<16x768xf32, #tpu.memory_space<hbm>>) target_semaphore(%arg10 : memref<!tpu.dma_semaphore, #tpu.memory_space<semaphore_mem>>)
    %dma_wait3A_81 = arith.constant 0 : i32
    %dma_wait3A_82 = arith.constant 0 : i32
    %dma_wait3A_83 = tpu.memref_slice %arg6[%dma_wait3A_81, %dma_wait3A_82] : memref<80x768xf32, #tpu.memory_space<vmem>> -> memref<16x768xf32, #tpu.memory_space<vmem>>
    %dma_wait3A_84 = arith.constant 0 : i32
    %dma_wait3A_85 = tpu.memref_slice %arg4[%add3A_28, %dma_wait3A_84] : memref<32768x768xf32, #tpu.memory_space<hbm>> -> memref<16x768xf32, #tpu.memory_space<hbm>>
    %dma_wait3A_86 = arith.constant 0 : i32
    %dma_wait3A_87 = tpu.memref_slice %arg4[%add3A_28, %dma_wait3A_86] : memref<32768x768xf32, #tpu.memory_space<hbm>> -> memref<16x768xf32, #tpu.memory_space<hbm>>
    %dma_wait3A_88 = arith.constant 0 : i32
    %dma_wait3A_89 = arith.constant 0 : i32
    %dma_wait3A_90 = tpu.memref_slice %arg6[%dma_wait3A_88, %dma_wait3A_89] : memref<80x768xf32, #tpu.memory_space<vmem>> -> memref<16x768xf32, #tpu.memory_space<vmem>>
    tpu.wait_dma2 semaphore(%arg10 : memref<!tpu.dma_semaphore, #tpu.memory_space<semaphore_mem>>) src(%dma_wait3A_90 : memref<16x768xf32, #tpu.memory_space<vmem>>) dst(%dma_wait3A_87 : memref<16x768xf32, #tpu.memory_space<hbm>>)
    %dma_wait3A_91 = arith.constant 0 : i32
    %dma_wait3A_92 = arith.constant 0 : i32
    %dma_wait3A_93 = tpu.memref_slice %arg6[%dma_wait3A_91, %dma_wait3A_92] : memref<80x768xf32, #tpu.memory_space<vmem>> -> memref<16x768xf32, #tpu.memory_space<vmem>>
    %dma_wait3A_94 = arith.constant 0 : i32
    %dma_wait3A_95 = tpu.memref_slice %arg4[%add3A_42, %dma_wait3A_94] : memref<32768x768xf32, #tpu.memory_space<hbm>> -> memref<16x768xf32, #tpu.memory_space<hbm>>
    %dma_wait3A_96 = arith.constant 0 : i32
    %dma_wait3A_97 = tpu.memref_slice %arg4[%add3A_42, %dma_wait3A_96] : memref<32768x768xf32, #tpu.memory_space<hbm>> -> memref<16x768xf32, #tpu.memory_space<hbm>>
    %dma_wait3A_98 = arith.constant 0 : i32
    %dma_wait3A_99 = arith.constant 0 : i32
    %dma_wait3A_100 = tpu.memref_slice %arg6[%dma_wait3A_98, %dma_wait3A_99] : memref<80x768xf32, #tpu.memory_space<vmem>> -> memref<16x768xf32, #tpu.memory_space<vmem>>
    tpu.wait_dma2 semaphore(%arg10 : memref<!tpu.dma_semaphore, #tpu.memory_space<semaphore_mem>>) src(%dma_wait3A_100 : memref<16x768xf32, #tpu.memory_space<vmem>>) dst(%dma_wait3A_97 : memref<16x768xf32, #tpu.memory_space<hbm>>)
    %dma_wait3A_101 = arith.constant 0 : i32
    %dma_wait3A_102 = arith.constant 0 : i32
    %dma_wait3A_103 = tpu.memref_slice %arg6[%dma_wait3A_101, %dma_wait3A_102] : memref<80x768xf32, #tpu.memory_space<vmem>> -> memref<16x768xf32, #tpu.memory_space<vmem>>
    %dma_wait3A_104 = arith.constant 0 : i32
    %dma_wait3A_105 = tpu.memref_slice %arg4[%add3A_56, %dma_wait3A_104] : memref<32768x768xf32, #tpu.memory_space<hbm>> -> memref<16x768xf32, #tpu.memory_space<hbm>>
    %dma_wait3A_106 = arith.constant 0 : i32
    %dma_wait3A_107 = tpu.memref_slice %arg4[%add3A_56, %dma_wait3A_106] : memref<32768x768xf32, #tpu.memory_space<hbm>> -> memref<16x768xf32, #tpu.memory_space<hbm>>
    %dma_wait3A_108 = arith.constant 0 : i32
    %dma_wait3A_109 = arith.constant 0 : i32
    %dma_wait3A_110 = tpu.memref_slice %arg6[%dma_wait3A_108, %dma_wait3A_109] : memref<80x768xf32, #tpu.memory_space<vmem>> -> memref<16x768xf32, #tpu.memory_space<vmem>>
    tpu.wait_dma2 semaphore(%arg10 : memref<!tpu.dma_semaphore, #tpu.memory_space<semaphore_mem>>) src(%dma_wait3A_110 : memref<16x768xf32, #tpu.memory_space<vmem>>) dst(%dma_wait3A_107 : memref<16x768xf32, #tpu.memory_space<hbm>>)
    %dma_wait3A_111 = arith.constant 0 : i32
    %dma_wait3A_112 = arith.constant 0 : i32
    %dma_wait3A_113 = tpu.memref_slice %arg6[%dma_wait3A_111, %dma_wait3A_112] : memref<80x768xf32, #tpu.memory_space<vmem>> -> memref<16x768xf32, #tpu.memory_space<vmem>>
    %dma_wait3A_114 = arith.constant 0 : i32
    %dma_wait3A_115 = tpu.memref_slice %arg4[%add3A_70, %dma_wait3A_114] : memref<32768x768xf32, #tpu.memory_space<hbm>> -> memref<16x768xf32, #tpu.memory_space<hbm>>
    %dma_wait3A_116 = arith.constant 0 : i32
    %dma_wait3A_117 = tpu.memref_slice %arg4[%add3A_70, %dma_wait3A_116] : memref<32768x768xf32, #tpu.memory_space<hbm>> -> memref<16x768xf32, #tpu.memory_space<hbm>>
    %dma_wait3A_118 = arith.constant 0 : i32
    %dma_wait3A_119 = arith.constant 0 : i32
    %dma_wait3A_120 = tpu.memref_slice %arg6[%dma_wait3A_118, %dma_wait3A_119] : memref<80x768xf32, #tpu.memory_space<vmem>> -> memref<16x768xf32, #tpu.memory_space<vmem>>
    tpu.wait_dma2 semaphore(%arg10 : memref<!tpu.dma_semaphore, #tpu.memory_space<semaphore_mem>>) src(%dma_wait3A_120 : memref<16x768xf32, #tpu.memory_space<vmem>>) dst(%dma_wait3A_117 : memref<16x768xf32, #tpu.memory_space<hbm>>)
    %dma_start3A_121 = arith.constant 0 : i32
    %dma_start3A_122 = arith.constant 0 : i32
    %dma_start3A_123 = tpu.memref_slice %arg6[%dma_start3A_121, %dma_start3A_122] : memref<80x768xf32, #tpu.memory_space<vmem>> -> memref<80x768xf32, #tpu.memory_space<vmem>>
    %dma_start3A_124 = arith.constant 96 : i32
    %dma_start3A_125 = tpu.memref_slice %arg5[%dma_start3A_124] : memref<256xi32, #tpu.memory_space<vmem>> -> memref<80xi32, #tpu.memory_space<vmem>>
    %dma_start3A_126 = arith.constant 0 : i32
    %dma_start3A_127 = arith.constant 0 : i32
    %dma_start3A_128 = tpu.memref_slice %arg2[%dma_start3A_126, %dma_start3A_127] : memref<8192x768xf32, #tpu.memory_space<hbm>> -> memref<8192x768xf32, #tpu.memory_space<hbm>>
    tpu.enqueue_indirect_dma source(%dma_start3A_128 : memref<8192x768xf32, #tpu.memory_space<hbm>>) target(%dma_start3A_123 : memref<80x768xf32, #tpu.memory_space<vmem>>) offsets(%dma_start3A_125 : memref<80xi32, #tpu.memory_space<vmem>>) semaphore(%arg8 : memref<!tpu.dma_semaphore, #tpu.memory_space<semaphore_mem>>)
    %dma_wait3A_129 = arith.constant 0 : i32
    %dma_wait3A_130 = arith.constant 0 : i32
    %dma_wait3A_131 = tpu.memref_slice %arg7[%dma_wait3A_129, %dma_wait3A_130] : memref<80x768xf32, #tpu.memory_space<vmem>> -> memref<80x768xf32, #tpu.memory_space<vmem>>
    %dma_wait3A_132 = arith.constant 16 : i32
    %dma_wait3A_133 = tpu.memref_slice %arg5[%dma_wait3A_132] : memref<256xi32, #tpu.memory_space<vmem>> -> memref<80xi32, #tpu.memory_space<vmem>>
    %dma_wait3A_134 = arith.constant 0 : i32
    %dma_wait3A_135 = arith.constant 0 : i32
    %dma_wait3A_136 = tpu.memref_slice %arg2[%dma_wait3A_134, %dma_wait3A_135] : memref<8192x768xf32, #tpu.memory_space<hbm>> -> memref<8192x768xf32, #tpu.memory_space<hbm>>
    tpu.wait_indirect_dma semaphore(%arg9 : memref<!tpu.dma_semaphore, #tpu.memory_space<semaphore_mem>>) src(%dma_wait3A_136 : memref<8192x768xf32, #tpu.memory_space<hbm>>) dst(%dma_wait3A_131 : memref<80x768xf32, #tpu.memory_space<vmem>>)
    %add3A_137 = arith.constant 0 : i32
    %add3A_138 = arith.addi %add3A_137, %mul3A_2 : i32
    %add3A_139 = arith.constant 16 : i32
    %add3A_140 = arith.addi %add3A_138, %add3A_139 : i32
    %dma_start3A_141 = arith.constant 0 : i32
    %dma_start3A_142 = arith.constant 0 : i32
    %dma_start3A_143 = tpu.memref_slice %arg7[%dma_start3A_141, %dma_start3A_142] : memref<80x768xf32, #tpu.memory_space<vmem>> -> memref<80x768xf32, #tpu.memory_space<vmem>>
    %dma_start3A_144 = arith.constant 0 : i32
    %dma_start3A_145 = tpu.memref_slice %arg4[%add3A_140, %dma_start3A_144] : memref<32768x768xf32, #tpu.memory_space<hbm>> -> memref<80x768xf32, #tpu.memory_space<hbm>>
    %dma_start3A_146 = arith.constant 0 : i32
    %dma_start3A_147 = tpu.memref_slice %arg4[%add3A_140, %dma_start3A_146] : memref<32768x768xf32, #tpu.memory_space<hbm>> -> memref<80x768xf32, #tpu.memory_space<hbm>>
    %dma_start3A_148 = arith.constant 0 : i32
    %dma_start3A_149 = arith.constant 0 : i32
    %dma_start3A_150 = tpu.memref_slice %arg7[%dma_start3A_148, %dma_start3A_149] : memref<80x768xf32, #tpu.memory_space<vmem>> -> memref<80x768xf32, #tpu.memory_space<vmem>>
    tpu.enqueue_dma source(%dma_start3A_150 : memref<80x768xf32, #tpu.memory_space<vmem>>) target(%dma_start3A_147 : memref<80x768xf32, #tpu.memory_space<hbm>>) target_semaphore(%arg11 : memref<!tpu.dma_semaphore, #tpu.memory_space<semaphore_mem>>)
    %add3A_151 = arith.constant 8192 : i32
    %add3A_152 = arith.addi %add3A_151, %mul3A_2 : i32
    %add3A_153 = arith.constant 16 : i32
    %add3A_154 = arith.addi %add3A_152, %add3A_153 : i32
    %dma_start3A_155 = arith.constant 0 : i32
    %dma_start3A_156 = arith.constant 0 : i32
    %dma_start3A_157 = tpu.memref_slice %arg7[%dma_start3A_155, %dma_start3A_156] : memref<80x768xf32, #tpu.memory_space<vmem>> -> memref<80x768xf32, #tpu.memory_space<vmem>>
    %dma_start3A_158 = arith.constant 0 : i32
    %dma_start3A_159 = tpu.memref_slice %arg4[%add3A_154, %dma_start3A_158] : memref<32768x768xf32, #tpu.memory_space<hbm>> -> memref<80x768xf32, #tpu.memory_space<hbm>>
    %dma_start3A_160 = arith.constant 0 : i32
    %dma_start3A_161 = tpu.memref_slice %arg4[%add3A_154, %dma_start3A_160] : memref<32768x768xf32, #tpu.memory_space<hbm>> -> memref<80x768xf32, #tpu.memory_space<hbm>>
    %dma_start3A_162 = arith.constant 0 : i32
    %dma_start3A_163 = arith.constant 0 : i32
    %dma_start3A_164 = tpu.memref_slice %arg7[%dma_start3A_162, %dma_start3A_163] : memref<80x768xf32, #tpu.memory_space<vmem>> -> memref<80x768xf32, #tpu.memory_space<vmem>>
    tpu.enqueue_dma source(%dma_start3A_164 : memref<80x768xf32, #tpu.memory_space<vmem>>) target(%dma_start3A_161 : memref<80x768xf32, #tpu.memory_space<hbm>>) target_semaphore(%arg11 : memref<!tpu.dma_semaphore, #tpu.memory_space<semaphore_mem>>)
    %add3A_165 = arith.constant 16384 : i32
    %add3A_166 = arith.addi %add3A_165, %mul3A_2 : i32
    %add3A_167 = arith.constant 16 : i32
    %add3A_168 = arith.addi %add3A_166, %add3A_167 : i32
    %dma_start3A_169 = arith.constant 0 : i32
    %dma_start3A_170 = arith.constant 0 : i32
    %dma_start3A_171 = tpu.memref_slice %arg7[%dma_start3A_169, %dma_start3A_170] : memref<80x768xf32, #tpu.memory_space<vmem>> -> memref<80x768xf32, #tpu.memory_space<vmem>>
    %dma_start3A_172 = arith.constant 0 : i32
    %dma_start3A_173 = tpu.memref_slice %arg4[%add3A_168, %dma_start3A_172] : memref<32768x768xf32, #tpu.memory_space<hbm>> -> memref<80x768xf32, #tpu.memory_space<hbm>>
    %dma_start3A_174 = arith.constant 0 : i32
    %dma_start3A_175 = tpu.memref_slice %arg4[%add3A_168, %dma_start3A_174] : memref<32768x768xf32, #tpu.memory_space<hbm>> -> memref<80x768xf32, #tpu.memory_space<hbm>>
    %dma_start3A_176 = arith.constant 0 : i32
    %dma_start3A_177 = arith.constant 0 : i32
    %dma_start3A_178 = tpu.memref_slice %arg7[%dma_start3A_176, %dma_start3A_177] : memref<80x768xf32, #tpu.memory_space<vmem>> -> memref<80x768xf32, #tpu.memory_space<vmem>>
    tpu.enqueue_dma source(%dma_start3A_178 : memref<80x768xf32, #tpu.memory_space<vmem>>) target(%dma_start3A_175 : memref<80x768xf32, #tpu.memory_space<hbm>>) target_semaphore(%arg11 : memref<!tpu.dma_semaphore, #tpu.memory_space<semaphore_mem>>)
    %add3A_179 = arith.constant 24576 : i32
    %add3A_180 = arith.addi %add3A_179, %mul3A_2 : i32
    %add3A_181 = arith.constant 16 : i32
    %add3A_182 = arith.addi %add3A_180, %add3A_181 : i32
    %dma_start3A_183 = arith.constant 0 : i32
    %dma_start3A_184 = arith.constant 0 : i32
    %dma_start3A_185 = tpu.memref_slice %arg7[%dma_start3A_183, %dma_start3A_184] : memref<80x768xf32, #tpu.memory_space<vmem>> -> memref<80x768xf32, #tpu.memory_space<vmem>>
    %dma_start3A_186 = arith.constant 0 : i32
    %dma_start3A_187 = tpu.memref_slice %arg4[%add3A_182, %dma_start3A_186] : memref<32768x768xf32, #tpu.memory_space<hbm>> -> memref<80x768xf32, #tpu.memory_space<hbm>>
    %dma_start3A_188 = arith.constant 0 : i32
    %dma_start3A_189 = tpu.memref_slice %arg4[%add3A_182, %dma_start3A_188] : memref<32768x768xf32, #tpu.memory_space<hbm>> -> memref<80x768xf32, #tpu.memory_space<hbm>>
    %dma_start3A_190 = arith.constant 0 : i32
    %dma_start3A_191 = arith.constant 0 : i32
    %dma_start3A_192 = tpu.memref_slice %arg7[%dma_start3A_190, %dma_start3A_191] : memref<80x768xf32, #tpu.memory_space<vmem>> -> memref<80x768xf32, #tpu.memory_space<vmem>>
    tpu.enqueue_dma source(%dma_start3A_192 : memref<80x768xf32, #tpu.memory_space<vmem>>) target(%dma_start3A_189 : memref<80x768xf32, #tpu.memory_space<hbm>>) target_semaphore(%arg11 : memref<!tpu.dma_semaphore, #tpu.memory_space<semaphore_mem>>)
    %dma_wait3A_193 = arith.constant 0 : i32
    %dma_wait3A_194 = arith.constant 0 : i32
    %dma_wait3A_195 = tpu.memref_slice %arg7[%dma_wait3A_193, %dma_wait3A_194] : memref<80x768xf32, #tpu.memory_space<vmem>> -> memref<80x768xf32, #tpu.memory_space<vmem>>
    %dma_wait3A_196 = arith.constant 0 : i32
    %dma_wait3A_197 = tpu.memref_slice %arg4[%add3A_140, %dma_wait3A_196] : memref<32768x768xf32, #tpu.memory_space<hbm>> -> memref<80x768xf32, #tpu.memory_space<hbm>>
    %dma_wait3A_198 = arith.constant 0 : i32
    %dma_wait3A_199 = tpu.memref_slice %arg4[%add3A_140, %dma_wait3A_198] : memref<32768x768xf32, #tpu.memory_space<hbm>> -> memref<80x768xf32, #tpu.memory_space<hbm>>
    %dma_wait3A_200 = arith.constant 0 : i32
    %dma_wait3A_201 = arith.constant 0 : i32
    %dma_wait3A_202 = tpu.memref_slice %arg7[%dma_wait3A_200, %dma_wait3A_201] : memref<80x768xf32, #tpu.memory_space<vmem>> -> memref<80x768xf32, #tpu.memory_space<vmem>>
    tpu.wait_dma2 semaphore(%arg11 : memref<!tpu.dma_semaphore, #tpu.memory_space<semaphore_mem>>) src(%dma_wait3A_202 : memref<80x768xf32, #tpu.memory_space<vmem>>) dst(%dma_wait3A_199 : memref<80x768xf32, #tpu.memory_space<hbm>>)
    %dma_wait3A_203 = arith.constant 0 : i32
    %dma_wait3A_204 = arith.constant 0 : i32
    %dma_wait3A_205 = tpu.memref_slice %arg7[%dma_wait3A_203, %dma_wait3A_204] : memref<80x768xf32, #tpu.memory_space<vmem>> -> memref<80x768xf32, #tpu.memory_space<vmem>>
    %dma_wait3A_206 = arith.constant 0 : i32
    %dma_wait3A_207 = tpu.memref_slice %arg4[%add3A_154, %dma_wait3A_206] : memref<32768x768xf32, #tpu.memory_space<hbm>> -> memref<80x768xf32, #tpu.memory_space<hbm>>
    %dma_wait3A_208 = arith.constant 0 : i32
    %dma_wait3A_209 = tpu.memref_slice %arg4[%add3A_154, %dma_wait3A_208] : memref<32768x768xf32, #tpu.memory_space<hbm>> -> memref<80x768xf32, #tpu.memory_space<hbm>>
    %dma_wait3A_210 = arith.constant 0 : i32
    %dma_wait3A_211 = arith.constant 0 : i32
    %dma_wait3A_212 = tpu.memref_slice %arg7[%dma_wait3A_210, %dma_wait3A_211] : memref<80x768xf32, #tpu.memory_space<vmem>> -> memref<80x768xf32, #tpu.memory_space<vmem>>
    tpu.wait_dma2 semaphore(%arg11 : memref<!tpu.dma_semaphore, #tpu.memory_space<semaphore_mem>>) src(%dma_wait3A_212 : memref<80x768xf32, #tpu.memory_space<vmem>>) dst(%dma_wait3A_209 : memref<80x768xf32, #tpu.memory_space<hbm>>)
    %dma_wait3A_213 = arith.constant 0 : i32
    %dma_wait3A_214 = arith.constant 0 : i32
    %dma_wait3A_215 = tpu.memref_slice %arg7[%dma_wait3A_213, %dma_wait3A_214] : memref<80x768xf32, #tpu.memory_space<vmem>> -> memref<80x768xf32, #tpu.memory_space<vmem>>
    %dma_wait3A_216 = arith.constant 0 : i32
    %dma_wait3A_217 = tpu.memref_slice %arg4[%add3A_168, %dma_wait3A_216] : memref<32768x768xf32, #tpu.memory_space<hbm>> -> memref<80x768xf32, #tpu.memory_space<hbm>>
    %dma_wait3A_218 = arith.constant 0 : i32
    %dma_wait3A_219 = tpu.memref_slice %arg4[%add3A_168, %dma_wait3A_218] : memref<32768x768xf32, #tpu.memory_space<hbm>> -> memref<80x768xf32, #tpu.memory_space<hbm>>
    %dma_wait3A_220 = arith.constant 0 : i32
    %dma_wait3A_221 = arith.constant 0 : i32
    %dma_wait3A_222 = tpu.memref_slice %arg7[%dma_wait3A_220, %dma_wait3A_221] : memref<80x768xf32, #tpu.memory_space<vmem>> -> memref<80x768xf32, #tpu.memory_space<vmem>>
    tpu.wait_dma2 semaphore(%arg11 : memref<!tpu.dma_semaphore, #tpu.memory_space<semaphore_mem>>) src(%dma_wait3A_222 : memref<80x768xf32, #tpu.memory_space<vmem>>) dst(%dma_wait3A_219 : memref<80x768xf32, #tpu.memory_space<hbm>>)
    %dma_wait3A_223 = arith.constant 0 : i32
    %dma_wait3A_224 = arith.constant 0 : i32
    %dma_wait3A_225 = tpu.memref_slice %arg7[%dma_wait3A_223, %dma_wait3A_224] : memref<80x768xf32, #tpu.memory_space<vmem>> -> memref<80x768xf32, #tpu.memory_space<vmem>>
    %dma_wait3A_226 = arith.constant 0 : i32
    %dma_wait3A_227 = tpu.memref_slice %arg4[%add3A_182, %dma_wait3A_226] : memref<32768x768xf32, #tpu.memory_space<hbm>> -> memref<80x768xf32, #tpu.memory_space<hbm>>
    %dma_wait3A_228 = arith.constant 0 : i32
    %dma_wait3A_229 = tpu.memref_slice %arg4[%add3A_182, %dma_wait3A_228] : memref<32768x768xf32, #tpu.memory_space<hbm>> -> memref<80x768xf32, #tpu.memory_space<hbm>>
    %dma_wait3A_230 = arith.constant 0 : i32
    %dma_wait3A_231 = arith.constant 0 : i32
    %dma_wait3A_232 = tpu.memref_slice %arg7[%dma_wait3A_230, %dma_wait3A_231] : memref<80x768xf32, #tpu.memory_space<vmem>> -> memref<80x768xf32, #tpu.memory_space<vmem>>
    tpu.wait_dma2 semaphore(%arg11 : memref<!tpu.dma_semaphore, #tpu.memory_space<semaphore_mem>>) src(%dma_wait3A_232 : memref<80x768xf32, #tpu.memory_space<vmem>>) dst(%dma_wait3A_229 : memref<80x768xf32, #tpu.memory_space<hbm>>)
    %dma_start3A_233 = arith.constant 0 : i32
    %dma_start3A_234 = arith.constant 0 : i32
    %dma_start3A_235 = tpu.memref_slice %arg7[%dma_start3A_233, %dma_start3A_234] : memref<80x768xf32, #tpu.memory_space<vmem>> -> memref<80x768xf32, #tpu.memory_space<vmem>>
    %dma_start3A_236 = arith.constant 176 : i32
    %dma_start3A_237 = tpu.memref_slice %arg5[%dma_start3A_236] : memref<256xi32, #tpu.memory_space<vmem>> -> memref<80xi32, #tpu.memory_space<vmem>>
    %dma_start3A_238 = arith.constant 0 : i32
    %dma_start3A_239 = arith.constant 0 : i32
    %dma_start3A_240 = tpu.memref_slice %arg2[%dma_start3A_238, %dma_start3A_239] : memref<8192x768xf32, #tpu.memory_space<hbm>> -> memref<8192x768xf32, #tpu.memory_space<hbm>>
    tpu.enqueue_indirect_dma source(%dma_start3A_240 : memref<8192x768xf32, #tpu.memory_space<hbm>>) target(%dma_start3A_235 : memref<80x768xf32, #tpu.memory_space<vmem>>) offsets(%dma_start3A_237 : memref<80xi32, #tpu.memory_space<vmem>>) semaphore(%arg9 : memref<!tpu.dma_semaphore, #tpu.memory_space<semaphore_mem>>)
    %dma_wait3A_241 = arith.constant 0 : i32
    %dma_wait3A_242 = arith.constant 0 : i32
    %dma_wait3A_243 = tpu.memref_slice %arg6[%dma_wait3A_241, %dma_wait3A_242] : memref<80x768xf32, #tpu.memory_space<vmem>> -> memref<80x768xf32, #tpu.memory_space<vmem>>
    %dma_wait3A_244 = arith.constant 96 : i32
    %dma_wait3A_245 = tpu.memref_slice %arg5[%dma_wait3A_244] : memref<256xi32, #tpu.memory_space<vmem>> -> memref<80xi32, #tpu.memory_space<vmem>>
    %dma_wait3A_246 = arith.constant 0 : i32
    %dma_wait3A_247 = arith.constant 0 : i32
    %dma_wait3A_248 = tpu.memref_slice %arg2[%dma_wait3A_246, %dma_wait3A_247] : memref<8192x768xf32, #tpu.memory_space<hbm>> -> memref<8192x768xf32, #tpu.memory_space<hbm>>
    tpu.wait_indirect_dma semaphore(%arg8 : memref<!tpu.dma_semaphore, #tpu.memory_space<semaphore_mem>>) src(%dma_wait3A_248 : memref<8192x768xf32, #tpu.memory_space<hbm>>) dst(%dma_wait3A_243 : memref<80x768xf32, #tpu.memory_space<vmem>>)
    %add3A_249 = arith.constant 0 : i32
    %add3A_250 = arith.addi %add3A_249, %mul3A_2 : i32
    %add3A_251 = arith.constant 96 : i32
    %add3A_252 = arith.addi %add3A_250, %add3A_251 : i32
    %dma_start3A_253 = arith.constant 0 : i32
    %dma_start3A_254 = arith.constant 0 : i32
    %dma_start3A_255 = tpu.memref_slice %arg6[%dma_start3A_253, %dma_start3A_254] : memref<80x768xf32, #tpu.memory_space<vmem>> -> memref<80x768xf32, #tpu.memory_space<vmem>>
    %dma_start3A_256 = arith.constant 0 : i32
    %dma_start3A_257 = tpu.memref_slice %arg4[%add3A_252, %dma_start3A_256] : memref<32768x768xf32, #tpu.memory_space<hbm>> -> memref<80x768xf32, #tpu.memory_space<hbm>>
    %dma_start3A_258 = arith.constant 0 : i32
    %dma_start3A_259 = tpu.memref_slice %arg4[%add3A_252, %dma_start3A_258] : memref<32768x768xf32, #tpu.memory_space<hbm>> -> memref<80x768xf32, #tpu.memory_space<hbm>>
    %dma_start3A_260 = arith.constant 0 : i32
    %dma_start3A_261 = arith.constant 0 : i32
    %dma_start3A_262 = tpu.memref_slice %arg6[%dma_start3A_260, %dma_start3A_261] : memref<80x768xf32, #tpu.memory_space<vmem>> -> memref<80x768xf32, #tpu.memory_space<vmem>>
    tpu.enqueue_dma source(%dma_start3A_262 : memref<80x768xf32, #tpu.memory_space<vmem>>) target(%dma_start3A_259 : memref<80x768xf32, #tpu.memory_space<hbm>>) target_semaphore(%arg10 : memref<!tpu.dma_semaphore, #tpu.memory_space<semaphore_mem>>)
    %add3A_263 = arith.constant 8192 : i32
    %add3A_264 = arith.addi %add3A_263, %mul3A_2 : i32
    %add3A_265 = arith.constant 96 : i32
    %add3A_266 = arith.addi %add3A_264, %add3A_265 : i32
    %dma_start3A_267 = arith.constant 0 : i32
    %dma_start3A_268 = arith.constant 0 : i32
    %dma_start3A_269 = tpu.memref_slice %arg6[%dma_start3A_267, %dma_start3A_268] : memref<80x768xf32, #tpu.memory_space<vmem>> -> memref<80x768xf32, #tpu.memory_space<vmem>>
    %dma_start3A_270 = arith.constant 0 : i32
    %dma_start3A_271 = tpu.memref_slice %arg4[%add3A_266, %dma_start3A_270] : memref<32768x768xf32, #tpu.memory_space<hbm>> -> memref<80x768xf32, #tpu.memory_space<hbm>>
    %dma_start3A_272 = arith.constant 0 : i32
    %dma_start3A_273 = tpu.memref_slice %arg4[%add3A_266, %dma_start3A_272] : memref<32768x768xf32, #tpu.memory_space<hbm>> -> memref<80x768xf32, #tpu.memory_space<hbm>>
    %dma_start3A_274 = arith.constant 0 : i32
    %dma_start3A_275 = arith.constant 0 : i32
    %dma_start3A_276 = tpu.memref_slice %arg6[%dma_start3A_274, %dma_start3A_275] : memref<80x768xf32, #tpu.memory_space<vmem>> -> memref<80x768xf32, #tpu.memory_space<vmem>>
    tpu.enqueue_dma source(%dma_start3A_276 : memref<80x768xf32, #tpu.memory_space<vmem>>) target(%dma_start3A_273 : memref<80x768xf32, #tpu.memory_space<hbm>>) target_semaphore(%arg10 : memref<!tpu.dma_semaphore, #tpu.memory_space<semaphore_mem>>)
    %add3A_277 = arith.constant 16384 : i32
    %add3A_278 = arith.addi %add3A_277, %mul3A_2 : i32
    %add3A_279 = arith.constant 96 : i32
    %add3A_280 = arith.addi %add3A_278, %add3A_279 : i32
    %dma_start3A_281 = arith.constant 0 : i32
    %dma_start3A_282 = arith.constant 0 : i32
    %dma_start3A_283 = tpu.memref_slice %arg6[%dma_start3A_281, %dma_start3A_282] : memref<80x768xf32, #tpu.memory_space<vmem>> -> memref<80x768xf32, #tpu.memory_space<vmem>>
    %dma_start3A_284 = arith.constant 0 : i32
    %dma_start3A_285 = tpu.memref_slice %arg4[%add3A_280, %dma_start3A_284] : memref<32768x768xf32, #tpu.memory_space<hbm>> -> memref<80x768xf32, #tpu.memory_space<hbm>>
    %dma_start3A_286 = arith.constant 0 : i32
    %dma_start3A_287 = tpu.memref_slice %arg4[%add3A_280, %dma_start3A_286] : memref<32768x768xf32, #tpu.memory_space<hbm>> -> memref<80x768xf32, #tpu.memory_space<hbm>>
    %dma_start3A_288 = arith.constant 0 : i32
    %dma_start3A_289 = arith.constant 0 : i32
    %dma_start3A_290 = tpu.memref_slice %arg6[%dma_start3A_288, %dma_start3A_289] : memref<80x768xf32, #tpu.memory_space<vmem>> -> memref<80x768xf32, #tpu.memory_space<vmem>>
    tpu.enqueue_dma source(%dma_start3A_290 : memref<80x768xf32, #tpu.memory_space<vmem>>) target(%dma_start3A_287 : memref<80x768xf32, #tpu.memory_space<hbm>>) target_semaphore(%arg10 : memref<!tpu.dma_semaphore, #tpu.memory_space<semaphore_mem>>)
    %add3A_291 = arith.constant 24576 : i32
    %add3A_292 = arith.addi %add3A_291, %mul3A_2 : i32
    %add3A_293 = arith.constant 96 : i32
    %add3A_294 = arith.addi %add3A_292, %add3A_293 : i32
    %dma_start3A_295 = arith.constant 0 : i32
    %dma_start3A_296 = arith.constant 0 : i32
    %dma_start3A_297 = tpu.memref_slice %arg6[%dma_start3A_295, %dma_start3A_296] : memref<80x768xf32, #tpu.memory_space<vmem>> -> memref<80x768xf32, #tpu.memory_space<vmem>>
    %dma_start3A_298 = arith.constant 0 : i32
    %dma_start3A_299 = tpu.memref_slice %arg4[%add3A_294, %dma_start3A_298] : memref<32768x768xf32, #tpu.memory_space<hbm>> -> memref<80x768xf32, #tpu.memory_space<hbm>>
    %dma_start3A_300 = arith.constant 0 : i32
    %dma_start3A_301 = tpu.memref_slice %arg4[%add3A_294, %dma_start3A_300] : memref<32768x768xf32, #tpu.memory_space<hbm>> -> memref<80x768xf32, #tpu.memory_space<hbm>>
    %dma_start3A_302 = arith.constant 0 : i32
    %dma_start3A_303 = arith.constant 0 : i32
    %dma_start3A_304 = tpu.memref_slice %arg6[%dma_start3A_302, %dma_start3A_303] : memref<80x768xf32, #tpu.memory_space<vmem>> -> memref<80x768xf32, #tpu.memory_space<vmem>>
    tpu.enqueue_dma source(%dma_start3A_304 : memref<80x768xf32, #tpu.memory_space<vmem>>) target(%dma_start3A_301 : memref<80x768xf32, #tpu.memory_space<hbm>>) target_semaphore(%arg10 : memref<!tpu.dma_semaphore, #tpu.memory_space<semaphore_mem>>)
    %dma_wait3A_305 = arith.constant 0 : i32
    %dma_wait3A_306 = arith.constant 0 : i32
    %dma_wait3A_307 = tpu.memref_slice %arg6[%dma_wait3A_305, %dma_wait3A_306] : memref<80x768xf32, #tpu.memory_space<vmem>> -> memref<80x768xf32, #tpu.memory_space<vmem>>
    %dma_wait3A_308 = arith.constant 0 : i32
    %dma_wait3A_309 = tpu.memref_slice %arg4[%add3A_252, %dma_wait3A_308] : memref<32768x768xf32, #tpu.memory_space<hbm>> -> memref<80x768xf32, #tpu.memory_space<hbm>>
    %dma_wait3A_310 = arith.constant 0 : i32
    %dma_wait3A_311 = tpu.memref_slice %arg4[%add3A_252, %dma_wait3A_310] : memref<32768x768xf32, #tpu.memory_space<hbm>> -> memref<80x768xf32, #tpu.memory_space<hbm>>
    %dma_wait3A_312 = arith.constant 0 : i32
    %dma_wait3A_313 = arith.constant 0 : i32
    %dma_wait3A_314 = tpu.memref_slice %arg6[%dma_wait3A_312, %dma_wait3A_313] : memref<80x768xf32, #tpu.memory_space<vmem>> -> memref<80x768xf32, #tpu.memory_space<vmem>>
    tpu.wait_dma2 semaphore(%arg10 : memref<!tpu.dma_semaphore, #tpu.memory_space<semaphore_mem>>) src(%dma_wait3A_314 : memref<80x768xf32, #tpu.memory_space<vmem>>) dst(%dma_wait3A_311 : memref<80x768xf32, #tpu.memory_space<hbm>>)
    %dma_wait3A_315 = arith.constant 0 : i32
    %dma_wait3A_316 = arith.constant 0 : i32
    %dma_wait3A_317 = tpu.memref_slice %arg6[%dma_wait3A_315, %dma_wait3A_316] : memref<80x768xf32, #tpu.memory_space<vmem>> -> memref<80x768xf32, #tpu.memory_space<vmem>>
    %dma_wait3A_318 = arith.constant 0 : i32
    %dma_wait3A_319 = tpu.memref_slice %arg4[%add3A_266, %dma_wait3A_318] : memref<32768x768xf32, #tpu.memory_space<hbm>> -> memref<80x768xf32, #tpu.memory_space<hbm>>
    %dma_wait3A_320 = arith.constant 0 : i32
    %dma_wait3A_321 = tpu.memref_slice %arg4[%add3A_266, %dma_wait3A_320] : memref<32768x768xf32, #tpu.memory_space<hbm>> -> memref<80x768xf32, #tpu.memory_space<hbm>>
    %dma_wait3A_322 = arith.constant 0 : i32
    %dma_wait3A_323 = arith.constant 0 : i32
    %dma_wait3A_324 = tpu.memref_slice %arg6[%dma_wait3A_322, %dma_wait3A_323] : memref<80x768xf32, #tpu.memory_space<vmem>> -> memref<80x768xf32, #tpu.memory_space<vmem>>
    tpu.wait_dma2 semaphore(%arg10 : memref<!tpu.dma_semaphore, #tpu.memory_space<semaphore_mem>>) src(%dma_wait3A_324 : memref<80x768xf32, #tpu.memory_space<vmem>>) dst(%dma_wait3A_321 : memref<80x768xf32, #tpu.memory_space<hbm>>)
    %dma_wait3A_325 = arith.constant 0 : i32
    %dma_wait3A_326 = arith.constant 0 : i32
    %dma_wait3A_327 = tpu.memref_slice %arg6[%dma_wait3A_325, %dma_wait3A_326] : memref<80x768xf32, #tpu.memory_space<vmem>> -> memref<80x768xf32, #tpu.memory_space<vmem>>
    %dma_wait3A_328 = arith.constant 0 : i32
    %dma_wait3A_329 = tpu.memref_slice %arg4[%add3A_280, %dma_wait3A_328] : memref<32768x768xf32, #tpu.memory_space<hbm>> -> memref<80x768xf32, #tpu.memory_space<hbm>>
    %dma_wait3A_330 = arith.constant 0 : i32
    %dma_wait3A_331 = tpu.memref_slice %arg4[%add3A_280, %dma_wait3A_330] : memref<32768x768xf32, #tpu.memory_space<hbm>> -> memref<80x768xf32, #tpu.memory_space<hbm>>
    %dma_wait3A_332 = arith.constant 0 : i32
    %dma_wait3A_333 = arith.constant 0 : i32
    %dma_wait3A_334 = tpu.memref_slice %arg6[%dma_wait3A_332, %dma_wait3A_333] : memref<80x768xf32, #tpu.memory_space<vmem>> -> memref<80x768xf32, #tpu.memory_space<vmem>>
    tpu.wait_dma2 semaphore(%arg10 : memref<!tpu.dma_semaphore, #tpu.memory_space<semaphore_mem>>) src(%dma_wait3A_334 : memref<80x768xf32, #tpu.memory_space<vmem>>) dst(%dma_wait3A_331 : memref<80x768xf32, #tpu.memory_space<hbm>>)
    %dma_wait3A_335 = arith.constant 0 : i32
    %dma_wait3A_336 = arith.constant 0 : i32
    %dma_wait3A_337 = tpu.memref_slice %arg6[%dma_wait3A_335, %dma_wait3A_336] : memref<80x768xf32, #tpu.memory_space<vmem>> -> memref<80x768xf32, #tpu.memory_space<vmem>>
    %dma_wait3A_338 = arith.constant 0 : i32
    %dma_wait3A_339 = tpu.memref_slice %arg4[%add3A_294, %dma_wait3A_338] : memref<32768x768xf32, #tpu.memory_space<hbm>> -> memref<80x768xf32, #tpu.memory_space<hbm>>
    %dma_wait3A_340 = arith.constant 0 : i32
    %dma_wait3A_341 = tpu.memref_slice %arg4[%add3A_294, %dma_wait3A_340] : memref<32768x768xf32, #tpu.memory_space<hbm>> -> memref<80x768xf32, #tpu.memory_space<hbm>>
    %dma_wait3A_342 = arith.constant 0 : i32
    %dma_wait3A_343 = arith.constant 0 : i32
    %dma_wait3A_344 = tpu.memref_slice %arg6[%dma_wait3A_342, %dma_wait3A_343] : memref<80x768xf32, #tpu.memory_space<vmem>> -> memref<80x768xf32, #tpu.memory_space<vmem>>
    tpu.wait_dma2 semaphore(%arg10 : memref<!tpu.dma_semaphore, #tpu.memory_space<semaphore_mem>>) src(%dma_wait3A_344 : memref<80x768xf32, #tpu.memory_space<vmem>>) dst(%dma_wait3A_341 : memref<80x768xf32, #tpu.memory_space<hbm>>)
    %dma_wait3A_345 = arith.constant 0 : i32
    %dma_wait3A_346 = arith.constant 0 : i32
    %dma_wait3A_347 = tpu.memref_slice %arg7[%dma_wait3A_345, %dma_wait3A_346] : memref<80x768xf32, #tpu.memory_space<vmem>> -> memref<80x768xf32, #tpu.memory_space<vmem>>
    %dma_wait3A_348 = arith.constant 176 : i32
    %dma_wait3A_349 = tpu.memref_slice %arg5[%dma_wait3A_348] : memref<256xi32, #tpu.memory_space<vmem>> -> memref<80xi32, #tpu.memory_space<vmem>>
    %dma_wait3A_350 = arith.constant 0 : i32
    %dma_wait3A_351 = arith.constant 0 : i32
    %dma_wait3A_352 = tpu.memref_slice %arg2[%dma_wait3A_350, %dma_wait3A_351] : memref<8192x768xf32, #tpu.memory_space<hbm>> -> memref<8192x768xf32, #tpu.memory_space<hbm>>
    tpu.wait_indirect_dma semaphore(%arg9 : memref<!tpu.dma_semaphore, #tpu.memory_space<semaphore_mem>>) src(%dma_wait3A_352 : memref<8192x768xf32, #tpu.memory_space<hbm>>) dst(%dma_wait3A_347 : memref<80x768xf32, #tpu.memory_space<vmem>>)
    %add3A_353 = arith.constant 0 : i32
    %add3A_354 = arith.addi %add3A_353, %mul3A_2 : i32
    %add3A_355 = arith.constant 176 : i32
    %add3A_356 = arith.addi %add3A_354, %add3A_355 : i32
    %dma_start3A_357 = arith.constant 0 : i32
    %dma_start3A_358 = arith.constant 0 : i32
    %dma_start3A_359 = tpu.memref_slice %arg7[%dma_start3A_357, %dma_start3A_358] : memref<80x768xf32, #tpu.memory_space<vmem>> -> memref<80x768xf32, #tpu.memory_space<vmem>>
    %dma_start3A_360 = arith.constant 0 : i32
    %dma_start3A_361 = tpu.memref_slice %arg4[%add3A_356, %dma_start3A_360] : memref<32768x768xf32, #tpu.memory_space<hbm>> -> memref<80x768xf32, #tpu.memory_space<hbm>>
    %dma_start3A_362 = arith.constant 0 : i32
    %dma_start3A_363 = tpu.memref_slice %arg4[%add3A_356, %dma_start3A_362] : memref<32768x768xf32, #tpu.memory_space<hbm>> -> memref<80x768xf32, #tpu.memory_space<hbm>>
    %dma_start3A_364 = arith.constant 0 : i32
    %dma_start3A_365 = arith.constant 0 : i32
    %dma_start3A_366 = tpu.memref_slice %arg7[%dma_start3A_364, %dma_start3A_365] : memref<80x768xf32, #tpu.memory_space<vmem>> -> memref<80x768xf32, #tpu.memory_space<vmem>>
    tpu.enqueue_dma source(%dma_start3A_366 : memref<80x768xf32, #tpu.memory_space<vmem>>) target(%dma_start3A_363 : memref<80x768xf32, #tpu.memory_space<hbm>>) target_semaphore(%arg11 : memref<!tpu.dma_semaphore, #tpu.memory_space<semaphore_mem>>)
    %add3A_367 = arith.constant 8192 : i32
    %add3A_368 = arith.addi %add3A_367, %mul3A_2 : i32
    %add3A_369 = arith.constant 176 : i32
    %add3A_370 = arith.addi %add3A_368, %add3A_369 : i32
    %dma_start3A_371 = arith.constant 0 : i32
    %dma_start3A_372 = arith.constant 0 : i32
    %dma_start3A_373 = tpu.memref_slice %arg7[%dma_start3A_371, %dma_start3A_372] : memref<80x768xf32, #tpu.memory_space<vmem>> -> memref<80x768xf32, #tpu.memory_space<vmem>>
    %dma_start3A_374 = arith.constant 0 : i32
    %dma_start3A_375 = tpu.memref_slice %arg4[%add3A_370, %dma_start3A_374] : memref<32768x768xf32, #tpu.memory_space<hbm>> -> memref<80x768xf32, #tpu.memory_space<hbm>>
    %dma_start3A_376 = arith.constant 0 : i32
    %dma_start3A_377 = tpu.memref_slice %arg4[%add3A_370, %dma_start3A_376] : memref<32768x768xf32, #tpu.memory_space<hbm>> -> memref<80x768xf32, #tpu.memory_space<hbm>>
    %dma_start3A_378 = arith.constant 0 : i32
    %dma_start3A_379 = arith.constant 0 : i32
    %dma_start3A_380 = tpu.memref_slice %arg7[%dma_start3A_378, %dma_start3A_379] : memref<80x768xf32, #tpu.memory_space<vmem>> -> memref<80x768xf32, #tpu.memory_space<vmem>>
    tpu.enqueue_dma source(%dma_start3A_380 : memref<80x768xf32, #tpu.memory_space<vmem>>) target(%dma_start3A_377 : memref<80x768xf32, #tpu.memory_space<hbm>>) target_semaphore(%arg11 : memref<!tpu.dma_semaphore, #tpu.memory_space<semaphore_mem>>)
    %add3A_381 = arith.constant 16384 : i32
    %add3A_382 = arith.addi %add3A_381, %mul3A_2 : i32
    %add3A_383 = arith.constant 176 : i32
    %add3A_384 = arith.addi %add3A_382, %add3A_383 : i32
    %dma_start3A_385 = arith.constant 0 : i32
    %dma_start3A_386 = arith.constant 0 : i32
    %dma_start3A_387 = tpu.memref_slice %arg7[%dma_start3A_385, %dma_start3A_386] : memref<80x768xf32, #tpu.memory_space<vmem>> -> memref<80x768xf32, #tpu.memory_space<vmem>>
    %dma_start3A_388 = arith.constant 0 : i32
    %dma_start3A_389 = tpu.memref_slice %arg4[%add3A_384, %dma_start3A_388] : memref<32768x768xf32, #tpu.memory_space<hbm>> -> memref<80x768xf32, #tpu.memory_space<hbm>>
    %dma_start3A_390 = arith.constant 0 : i32
    %dma_start3A_391 = tpu.memref_slice %arg4[%add3A_384, %dma_start3A_390] : memref<32768x768xf32, #tpu.memory_space<hbm>> -> memref<80x768xf32, #tpu.memory_space<hbm>>
    %dma_start3A_392 = arith.constant 0 : i32
    %dma_start3A_393 = arith.constant 0 : i32
    %dma_start3A_394 = tpu.memref_slice %arg7[%dma_start3A_392, %dma_start3A_393] : memref<80x768xf32, #tpu.memory_space<vmem>> -> memref<80x768xf32, #tpu.memory_space<vmem>>
    tpu.enqueue_dma source(%dma_start3A_394 : memref<80x768xf32, #tpu.memory_space<vmem>>) target(%dma_start3A_391 : memref<80x768xf32, #tpu.memory_space<hbm>>) target_semaphore(%arg11 : memref<!tpu.dma_semaphore, #tpu.memory_space<semaphore_mem>>)
    %add3A_395 = arith.constant 24576 : i32
    %add3A_396 = arith.addi %add3A_395, %mul3A_2 : i32
    %add3A_397 = arith.constant 176 : i32
    %add3A_398 = arith.addi %add3A_396, %add3A_397 : i32
    %dma_start3A_399 = arith.constant 0 : i32
    %dma_start3A_400 = arith.constant 0 : i32
    %dma_start3A_401 = tpu.memref_slice %arg7[%dma_start3A_399, %dma_start3A_400] : memref<80x768xf32, #tpu.memory_space<vmem>> -> memref<80x768xf32, #tpu.memory_space<vmem>>
    %dma_start3A_402 = arith.constant 0 : i32
    %dma_start3A_403 = tpu.memref_slice %arg4[%add3A_398, %dma_start3A_402] : memref<32768x768xf32, #tpu.memory_space<hbm>> -> memref<80x768xf32, #tpu.memory_space<hbm>>
    %dma_start3A_404 = arith.constant 0 : i32
    %dma_start3A_405 = tpu.memref_slice %arg4[%add3A_398, %dma_start3A_404] : memref<32768x768xf32, #tpu.memory_space<hbm>> -> memref<80x768xf32, #tpu.memory_space<hbm>>
    %dma_start3A_406 = arith.constant 0 : i32
    %dma_start3A_407 = arith.constant 0 : i32
    %dma_start3A_408 = tpu.memref_slice %arg7[%dma_start3A_406, %dma_start3A_407] : memref<80x768xf32, #tpu.memory_space<vmem>> -> memref<80x768xf32, #tpu.memory_space<vmem>>
    tpu.enqueue_dma source(%dma_start3A_408 : memref<80x768xf32, #tpu.memory_space<vmem>>) target(%dma_start3A_405 : memref<80x768xf32, #tpu.memory_space<hbm>>) target_semaphore(%arg11 : memref<!tpu.dma_semaphore, #tpu.memory_space<semaphore_mem>>)
    %dma_wait3A_409 = arith.constant 0 : i32
    %dma_wait3A_410 = arith.constant 0 : i32
    %dma_wait3A_411 = tpu.memref_slice %arg7[%dma_wait3A_409, %dma_wait3A_410] : memref<80x768xf32, #tpu.memory_space<vmem>> -> memref<80x768xf32, #tpu.memory_space<vmem>>
    %dma_wait3A_412 = arith.constant 0 : i32
    %dma_wait3A_413 = tpu.memref_slice %arg4[%add3A_356, %dma_wait3A_412] : memref<32768x768xf32, #tpu.memory_space<hbm>> -> memref<80x768xf32, #tpu.memory_space<hbm>>
    %dma_wait3A_414 = arith.constant 0 : i32
    %dma_wait3A_415 = tpu.memref_slice %arg4[%add3A_356, %dma_wait3A_414] : memref<32768x768xf32, #tpu.memory_space<hbm>> -> memref<80x768xf32, #tpu.memory_space<hbm>>
    %dma_wait3A_416 = arith.constant 0 : i32
    %dma_wait3A_417 = arith.constant 0 : i32
    %dma_wait3A_418 = tpu.memref_slice %arg7[%dma_wait3A_416, %dma_wait3A_417] : memref<80x768xf32, #tpu.memory_space<vmem>> -> memref<80x768xf32, #tpu.memory_space<vmem>>
    tpu.wait_dma2 semaphore(%arg11 : memref<!tpu.dma_semaphore, #tpu.memory_space<semaphore_mem>>) src(%dma_wait3A_418 : memref<80x768xf32, #tpu.memory_space<vmem>>) dst(%dma_wait3A_415 : memref<80x768xf32, #tpu.memory_space<hbm>>)
    %dma_wait3A_419 = arith.constant 0 : i32
    %dma_wait3A_420 = arith.constant 0 : i32
    %dma_wait3A_421 = tpu.memref_slice %arg7[%dma_wait3A_419, %dma_wait3A_420] : memref<80x768xf32, #tpu.memory_space<vmem>> -> memref<80x768xf32, #tpu.memory_space<vmem>>
    %dma_wait3A_422 = arith.constant 0 : i32
    %dma_wait3A_423 = tpu.memref_slice %arg4[%add3A_370, %dma_wait3A_422] : memref<32768x768xf32, #tpu.memory_space<hbm>> -> memref<80x768xf32, #tpu.memory_space<hbm>>
    %dma_wait3A_424 = arith.constant 0 : i32
    %dma_wait3A_425 = tpu.memref_slice %arg4[%add3A_370, %dma_wait3A_424] : memref<32768x768xf32, #tpu.memory_space<hbm>> -> memref<80x768xf32, #tpu.memory_space<hbm>>
    %dma_wait3A_426 = arith.constant 0 : i32
    %dma_wait3A_427 = arith.constant 0 : i32
    %dma_wait3A_428 = tpu.memref_slice %arg7[%dma_wait3A_426, %dma_wait3A_427] : memref<80x768xf32, #tpu.memory_space<vmem>> -> memref<80x768xf32, #tpu.memory_space<vmem>>
    tpu.wait_dma2 semaphore(%arg11 : memref<!tpu.dma_semaphore, #tpu.memory_space<semaphore_mem>>) src(%dma_wait3A_428 : memref<80x768xf32, #tpu.memory_space<vmem>>) dst(%dma_wait3A_425 : memref<80x768xf32, #tpu.memory_space<hbm>>)
    %dma_wait3A_429 = arith.constant 0 : i32
    %dma_wait3A_430 = arith.constant 0 : i32
    %dma_wait3A_431 = tpu.memref_slice %arg7[%dma_wait3A_429, %dma_wait3A_430] : memref<80x768xf32, #tpu.memory_space<vmem>> -> memref<80x768xf32, #tpu.memory_space<vmem>>
    %dma_wait3A_432 = arith.constant 0 : i32
    %dma_wait3A_433 = tpu.memref_slice %arg4[%add3A_384, %dma_wait3A_432] : memref<32768x768xf32, #tpu.memory_space<hbm>> -> memref<80x768xf32, #tpu.memory_space<hbm>>
    %dma_wait3A_434 = arith.constant 0 : i32
    %dma_wait3A_435 = tpu.memref_slice %arg4[%add3A_384, %dma_wait3A_434] : memref<32768x768xf32, #tpu.memory_space<hbm>> -> memref<80x768xf32, #tpu.memory_space<hbm>>
    %dma_wait3A_436 = arith.constant 0 : i32
    %dma_wait3A_437 = arith.constant 0 : i32
    %dma_wait3A_438 = tpu.memref_slice %arg7[%dma_wait3A_436, %dma_wait3A_437] : memref<80x768xf32, #tpu.memory_space<vmem>> -> memref<80x768xf32, #tpu.memory_space<vmem>>
    tpu.wait_dma2 semaphore(%arg11 : memref<!tpu.dma_semaphore, #tpu.memory_space<semaphore_mem>>) src(%dma_wait3A_438 : memref<80x768xf32, #tpu.memory_space<vmem>>) dst(%dma_wait3A_435 : memref<80x768xf32, #tpu.memory_space<hbm>>)
    %dma_wait3A_439 = arith.constant 0 : i32
    %dma_wait3A_440 = arith.constant 0 : i32
    %dma_wait3A_441 = tpu.memref_slice %arg7[%dma_wait3A_439, %dma_wait3A_440] : memref<80x768xf32, #tpu.memory_space<vmem>> -> memref<80x768xf32, #tpu.memory_space<vmem>>
    %dma_wait3A_442 = arith.constant 0 : i32
    %dma_wait3A_443 = tpu.memref_slice %arg4[%add3A_398, %dma_wait3A_442] : memref<32768x768xf32, #tpu.memory_space<hbm>> -> memref<80x768xf32, #tpu.memory_space<hbm>>
    %dma_wait3A_444 = arith.constant 0 : i32
    %dma_wait3A_445 = tpu.memref_slice %arg4[%add3A_398, %dma_wait3A_444] : memref<32768x768xf32, #tpu.memory_space<hbm>> -> memref<80x768xf32, #tpu.memory_space<hbm>>
    %dma_wait3A_446 = arith.constant 0 : i32
    %dma_wait3A_447 = arith.constant 0 : i32
    %dma_wait3A_448 = tpu.memref_slice %arg7[%dma_wait3A_446, %dma_wait3A_447] : memref<80x768xf32, #tpu.memory_space<vmem>> -> memref<80x768xf32, #tpu.memory_space<vmem>>
    tpu.wait_dma2 semaphore(%arg11 : memref<!tpu.dma_semaphore, #tpu.memory_space<semaphore_mem>>) src(%dma_wait3A_448 : memref<80x768xf32, #tpu.memory_space<vmem>>) dst(%dma_wait3A_445 : memref<80x768xf32, #tpu.memory_space<hbm>>)
    return
  }
}

</mosaic_0001>

<sc_bundles>
// kernel: _build_and_run.3.cloned.1.call-start
scs
__scs_entry_jumppad:
0x0: {  	(pc) =	sbr.rel $0x88, $3  }
0x1: {  	(tag) =	ssettag $0x0;
	lr =	simm.s32 $0x1  }
0x2: {  	[smem:$0x3F9F] =	sst lr;
	_ =	strace $0xD0000000  }
0x3: {  	_ = 	snop  }
0x4: {  	_ = 	snop  }
0x5: {  	_ = 	snop  }
0x6: {  	_ = 	snop  }
0x7: {  	_ = 	snop  }
__scs_overlays_trampoline_lowered:
0x8: {  	[smem:$0x3FAE] =	sst s0  }
0x9: {  	[smem:$0x3FAF] =	sst s1  }
0xa: {  	[smem:$0x3FB0] =	sst s2  }
0xb: {  	[smem:$0x3FB1] =	sst s3  }
0xc: {  	[smem:$0x3FB2] =	sst s4  }
0xd: {  	[smem:$0x3FB3] =	sst s5  }
0xe: {  	[smem:$0x3FB4] =	sst s6  }
0xf: {  	[smem:$0x3FB5] =	sst s7  }
0x10: {  	[smem:$0x3FB6] =	sst s8  }
0x11: {  	[smem:$0x3FB7] =	sst s9;
	s0 =	simm.s32 @!p0 $0x0  }
0x12: {  	s1 =	sld [smem:$0x3F9D];
	s0 =	simm.s32 @p0 $0x1  }
0x13: {  	[smem:$0x3FB8] =	sst s0;
	s0 =	simm.s32 @!p1 $0x0  }
0x14: {  	s2 =	sld [smem:$0x3F9C];
	s0 =	simm.s32 @p1 $0x1  }
0x15: {  	[smem:$0x3FB9] =	sst s0;
	s0 =	simm.s32 @!p2 $0x0  }
0x16: {  	s3 =	sld [smem:$0x3FDB];
	s0 =	simm.s32 @p2 $0x1  }
0x17: {  	s4 =	simm.s32 $0x1BF5;
	[smem:$0x3FBB] =	sst s0  }
0x18: {  	s0 =	sld [smem:$0x3F9E];
	_ =	swait.ge [sflag:s4], $0x0  }
0x19: {  	s7 =	sld [smem:$0x3F9F]  }
0x1a: {  	s8 =	sadd.s32 $0xFFFFE003, lr  }
0x1b: {  	s9 =	sadd.s32 $0xFFFFFEF7, lr;
	s5 =	simm.s32 $0xFFFFFFFF;
	p2 =	slt.u32 s8, $0xFFFFF086  }
0x1c: {  	p1 =	slt.u32 s9, $0xF7A;
	s5 =	simm.s32 @!p2 $0x0  }
0x1d: {  	s5 =	simm.s32 @p1 $0x1;
	p0 =	seq.s32 s7, s2  }
0x1e: {  	s7 =	smul.u32 @!p0 $0xF7A, s2;
	p2 =	seq.s32 @!p0 s5, $0x0  }
0x1f: {  	s9 =	smul.u32 $0xF7A, s1;
	s8 =	simm.s32 @!p0 $0x1BF5;
	p2 =	por !p2, p0  }
0x20: {  	[sflag:s8] =	ssyncset.s32 @!p0 $0xFFFFF086;
	s6 =	sadd.s32 @!p0 s3, s7;
	s7 =	simm.s32 @!p0 $0x108  }
0x21: {  	s3 =	sadd.s32 s3, s9;
	s6 =	sadd.s32 @!p0 $0x88, s6;
	s7 =	simm.s32 @p2 $0x1082  }
0x22: {  	[simem:s7], [sflag:s8] =	dma.local @!p0 [hbm:s6], $0xF7A  }
0x23: {  	s9 =	sor.u32 $0xD0000000, s2;
	s6 =	simm.s32 $0x108;
	_ =	swait.ge @!p0 [sflag:s8], $0x0  }
0x24: {  	s3 =	sadd.s32 $0x88, s3;
	s6 =	simm.s32 @!p1 $0x1082;
	[sflag:s4] =	ssyncset.s32 $0xFFFFF086  }
0x25: {  	[simem:s6], [sflag:s4] =	dma.local [hbm:s3], $0xF7A  }
0x26: {  	[smem:$0x3F9F] =	sst s1;
	(tag) =	ssettag s2;
	_ =	strace s9  }
0x27: {  	s1 =	sld [smem:$0x3FAF]  }
0x28: {  	s2 =	sld [smem:$0x3FB0]  }
0x29: {  	s4 =	sld [smem:$0x3FB2]  }
0x2a: {  	p0 =	seq.s32 s5, $0x0;
	s5 =	sld [smem:$0x3FB3]  }
0x2b: {  	s6 =	sld [smem:$0x3FB4]  }
0x2c: {  	s7 =	sld [smem:$0x3FB5]  }
0x2d: {  	s3 =	simm.s32 $0x108;
	s8 =	sld [smem:$0x3FB6]  }
0x2e: {  	s3 =	simm.s32 @!p0 $0x1082;
	s9 =	sld [smem:$0x3FB7]  }
0x2f: {  	lr =	sadd.s32 s0, s3;
	s0 =	sld [smem:$0x3FAE]  }
0x30: {  	s3 =	sld [smem:$0x3FB1]  }
0x31: {  	[smem:$0x3FBA] =	sst s10  }
0x32: {  	s10 =	sld [smem:$0x3FB8];
	_ =	sdelay $0x3  }
0x33: {  	p0 =	seq.s32 s10, $0x1;
	s10 =	sld [smem:$0x3FBA];
	_ =	sdelay $0x3  }
0x34: {  	[smem:$0x3FBA] =	sst s10  }
0x35: {  	s10 =	sld [smem:$0x3FB9];
	_ =	sdelay $0x3  }
0x36: {  	p1 =	seq.s32 s10, $0x1;
	s10 =	sld [smem:$0x3FBA];
	_ =	sdelay $0x3  }
0x37: {  	[smem:$0x3FBA] =	sst s10  }
0x38: {  	s10 =	sld [smem:$0x3FBB]  }
0x39: {  	_ = 	snop;
	(pc) =	sbr.ind lr, $3  }
0x3a: {  	_ = 	snop  }
0x3b: {  	_ = 	snop  }
0x3c: {  	p2 =	seq.s32 s10, $0x1;
	s10 =	sld [smem:$0x3FBA]  }
0x3d: {  	_ =	shalt  }
0x3e: {  	_ =	shalt  }
0x3f: {  	_ =	shalt  }
0x40: {  	_ =	shalt  }
0x41: {  	_ =	shalt  }
0x42: {  	_ =	shalt  }
0x43: {  	_ =	shalt  }
0x44: {  	_ =	shalt  }
0x45: {  	_ =	shalt  }
0x46: {  	_ =	shalt  }
0x47: {  	_ =	shalt  }
0x48: {  	_ =	shalt  }
0x49: {  	_ =	shalt  }
0x4a: {  	_ =	shalt  }
0x4b: {  	_ =	shalt  }
0x4c: {  	_ =	shalt  }
0x4d: {  	_ =	shalt  }
0x4e: {  	_ =	shalt  }
0x4f: {  	_ =	shalt  }
0x50: {  	_ =	shalt  }
0x51: {  	_ =	shalt  }
0x52: {  	_ =	shalt  }
0x53: {  	_ =	shalt  }
0x54: {  	_ =	shalt  }
0x55: {  	_ =	shalt  }
0x56: {  	_ =	shalt  }
0x57: {  	_ =	shalt  }
0x58: {  	_ =	shalt  }
0x59: {  	_ =	shalt  }
0x5a: {  	_ =	shalt  }
0x5b: {  	_ =	shalt  }
0x5c: {  	_ =	shalt  }
0x5d: {  	_ =	shalt  }
0x5e: {  	_ =	shalt  }
0x5f: {  	_ =	shalt  }
0x60: {  	_ =	shalt  }
0x61: {  	_ =	shalt  }
0x62: {  	_ =	shalt  }
0x63: {  	_ =	shalt  }
0x64: {  	_ =	shalt  }
0x65: {  	_ =	shalt  }
0x66: {  	_ =	shalt  }
0x67: {  	_ =	shalt  }
0x68: {  	_ =	shalt  }
0x69: {  	_ =	shalt  }
0x6a: {  	_ =	shalt  }
0x6b: {  	_ =	shalt  }
0x6c: {  	_ =	shalt  }
0x6d: {  	_ =	shalt  }
0x6e: {  	_ =	shalt  }
0x6f: {  	_ =	shalt  }
0x70: {  	_ =	shalt  }
0x71: {  	_ =	shalt  }
0x72: {  	_ =	shalt  }
0x73: {  	_ =	shalt  }
0x74: {  	_ =	shalt  }
0x75: {  	_ =	shalt  }
0x76: {  	_ =	shalt  }
0x77: {  	_ =	shalt  }
0x78: {  	_ =	shalt  }
0x79: {  	_ =	shalt  }
0x7a: {  	_ =	shalt  }
0x7b: {  	_ =	shalt  }
0x7c: {  	_ =	shalt  }
0x7d: {  	_ =	shalt  }
0x7e: {  	_ =	shalt  }
0x7f: {  	_ =	shalt  }
0x80: {  	_ =	shalt  }
0x81: {  	_ =	shalt  }
0x82: {  	_ =	shalt  }
0x83: {  	_ =	shalt  }
0x84: {  	_ =	shalt  }
0x85: {  	_ =	shalt  }
0x86: {  	_ =	shalt  }
0x87: {  	_ =	shalt  }
.Lfunc_end0:
.L_simem_size_0:
called_computation_lowered:
.L_overlay_start_0:
0x88: {  	s2 =	sld [smem:$0x3FD9]  }
0x89: {  	s3 =	sld [smem:$0x3FFE];
	_ =	sdelay $0x1  }
0x8a: {  	s1 =	srdreg.scid  }
0x8b: {  	s0 =	sand.u32 $0x1, s1  }
0x8c: {  	s18 =	sshll.u32 s0, $0xA;
	s2 =	sadd.s32 s3, s2  }
0x8d: {  	s2 =	sadd.s32 s2, s18  }
0x8e: {  	[smem:$0x3FC6] =	sst s2  }
0x8f: {  	_ = 	snop  }
0x90: {  	s2 =	sld [smem:$0x3FC9]  }
0x91: {  	s19 =	sld [smem:$0x3FC8]  }
0x92: {  	s4 =	sld [smem:$0x3FD0];
	(tm) =	ssettm $0x1  }
0x93: {  	s5 =	sld [smem:$0x3FFB];
	_ =	sdelay $0x3  }
0x94: {  	_ =	strace s5  }
0x95: {  	s5 =	sld [smem:$0x3FFC];
	_ =	sdelay $0x3  }
0x96: {  	_ =	strace s5  }
0x97: {  	s5 =	sld [smem:$0x3FFD];
	_ =	sdelay $0x3  }
0x98: {  	_ =	strace s5  }
0x99: {  	_ =	strace $0x8FFFFFFF  }
0x9a: {  	s20 =	sld [smem:$0x3FDB];
	_ =	sdelay $0x1  }
0x9b: {  	s6 =	simm.s32 $_scs_section_size  }
0x9c: {  	s7 =	simm.s32 $_size__tile_overlayer_lowered;
	s8 =	simm.s32 $_tile_overlayer_lowered  }
0x9d: {  	s23 =	simm.s32 $0x1BFF;
	s22 =	sshll.u32 s8, $0x1;
	s5 =	sadd.s32 s6, s20  }
0x9e: {  	s9 =	simm.s32 $0x0;
	s21 =	sshll.u32 s7, $0x1;
	s7 =	sadd.s32 s22, s5  }
0x9f: {  	[timem:s9], [sflag:s23] =	dma.local [hbm:s7], s21  }
0xa0: {  	_ =	swait.ge [sflag:s23], s21  }
0xa1: {  	s6 =	ssub.s32 $0x0, s21;
	[sflag:s23] =	ssyncset.done $0x0  }
0xa2: {  	[sflag:s23] =	ssyncadd.s32 s6;
	_ =	sdelay $0x1  }
0xa3: {  	s24 =	simm.s32 $0x1B8B  }
0xa4: {  	_ =	swait.ge [sflag:s24], $0x1  }
0xa5: {  	[sflag:s24] =	ssyncset.done $0x0  }
0xa6: {  	s25 =	simm.s32 $0x1B8E;
	[sflag:s24] =	ssyncadd.s32 $0xFFFFFFFF  }
0xa7: {  	s26 =	simm.s32 $execute0_lowered;
	[smem:$0x3FD2] =	sst s25  }
0xa8: {  	s6 =	sshll.u32 s26, $0x1;
	_ =	strace $0x80000046;
	[dreg:$0x1] =	wrdreg $0xFFFFFFFF  }
0xa9: {  	s28 =	simm.s32 $_size_execute0_lowered;
	s5 =	sadd.s32 s5, s6;
	[dreg:$0x0] =	wrdreg $0x0  }
0xaa: {  	s6 =	sshll.u32 s28, $0x1;
	[dreg:$0x2] =	wrdreg s5  }
0xab: {  	[dreg:$0x3] =	wrdreg s6  }
0xac: {  	[dreg:$0x4] =	wrdreg $0xC0  }
0xad: {  	_ =	task [dreg:s9], $0x5FFFF  }
0xae: {  	[dreg:$0x1] =	wrdreg $0xFFFFFFFF  }
0xaf: {  	[dreg:$0x0] =	wrdreg $0x60  }
0xb0: {  	[dreg:$0x2] =	wrdreg s2  }
0xb1: {  	[dreg:$0x3] =	wrdreg s19  }
0xb2: {  	[dreg:$0x4] =	wrdreg s4  }
0xb3: {  	[dreg:$0x5] =	wrdreg $0x9  }
0xb4: {  	_ =	task.clear_ibuf [dreg:s9], $0x6FFFF;
	_ =	strace $0x90000046  }
0xb5: {  	s29 =	simm.s32 $0x9;
	_ =	strace $0x80000048  }
0xb6: {  	_ =	swait.ge [sflag:s29], $0x1  }
0xb7: {  	[sflag:s29] =	ssyncadd.s32 $0xFFFFFFFF  }
0xb8: {  	_ =	strace $0x90000048  }
0xb9: {  	_ =	sfence  }
0xba: {  	s30 =	sld [smem:$0x0];
	_ =	sdelay $0x2  }
0xbb: {  	s31 =	sshll.u32 s1, $0xD;
	s1 =	sshrl.u32 s1, $0x2  }
0xbc: {  	s3 =	sand.u32 $0x4000, s31;
	s1 =	sadd.s32 s1, s30  }
0xbd: {  	s0 =	sor.u32 s3, s0;
	s1 =	sshll.u32 s1, $0x11  }
0xbe: {  	s0 =	sor.u32 s1, s0  }
0xbf: {  	s0 =	sadd.s32 $0x8F2B, s0  }
0xc0: {  	[sflag:s0] =	ssyncadd.remote.s32 $0x1  }
0xc1: {  	_ =	sfence.sel $0xFFFF  }
0xc2: {  	[dreg:$0x0] =	wrdreg $0xFFFFFFFF;
	(pc) =	sbr.abs _section_cstart, $3  }
0xc3: {  	[dreg:$0x1] =	wrdreg $0xFFFFFFFF  }
0xc4: {  	_ =	task.clear_ibuf [dreg:s9], $0x2FFFF;
	_ =	strace $0x9FFFFFFF  }
0xc5: {  	(tm) =	ssettm $0x7FFFFFFF  }
tec
execute0_lowered:
.L_overlay_start_1:
0x0: {  	(tag) =	ssettag $0x1  }
0x1: {  	s1 =	rddreg [dreg:$0x0]  }
0x2: {  	s2 =	srdreg.scid;
	s4 =	stileid.u32  }
0x3: {  	s0 =	rddreg [dreg:$0x1];
	s2 =	sand.u32 $0x1, s2;
	s3 =	sshll.u32 s4, $0x1  }
0x4: {  	s5 =	rddreg [dreg:$0x2];
	s6 =	sor.u32 s2, s3;
	s3 =	simm.s32 $0x0  }
0x5: {  	s30 =	simm.s32 $0x80;
	s10 =	simm.s32 $0x5100;
	[smem:$0x7FF] =	sst s3  }
0x6: {  	s11 =	simm.s32 $0x5900;
	_ =	strace $0x80000047;
	[dreg:$0x14] =	wrdreg s30  }
0x7: {  	s12 =	simm.s32 $0x6100;
	s4 =	sshll.u32 s4, $0x6;
	[dreg:$0x1a] =	wrdreg s10  }
0x8: {  	s4 =	sand.u32 $0x300, s4;
	s8 =	smul.u32 $0x6000, s6;
	[dreg:$0x1b] =	wrdreg s11  }
0x9: {  	s7 =	sshll.u32 s6, $0x4;
	[dreg:$0x1c] =	wrdreg s12;
	s30 =	simm.s32 $0xE900  }
0xa: {  	s7 =	sand.u32 $0x70, s7;
	s13 =	sadd.s32 s5, s8;
	[smem:$0x7FD] =	sst s30  }
0xb: {  	s4 =	sor.u32 s4, s7;
	s7 =	simm.s32 $0x4100;
	[smem:$0x7EF] =	sst s13  }
0xc: {  	s8 =	simm.s32 $0x4900;
	[dreg:$0x18] =	wrdreg s7  }
0xd: {  	s0 =	sadd.s32 s0, s4;
	[dreg:$0x19] =	wrdreg s8  }
0xe: {  	s14 =	sadd.s32 $0xC0000, s13;
	[dreg:$0x4] =	wrdreg s0  }
0xf: {  	s15 =	sadd.s32 $0x180000, s13;
	[dreg:$0x5] =	wrdreg s14  }
0x10: {  	s16 =	sadd.s32 $0x240000, s13;
	[dreg:$0x6] =	wrdreg s15  }
0x11: {  	s17 =	sadd.s32 $0x600, s13;
	[dreg:$0x7] =	wrdreg s16  }
0x12: {  	s18 =	sadd.s32 $0xC0600, s13;
	[dreg:$0x8] =	wrdreg s17  }
0x13: {  	s19 =	sadd.s32 $0x180600, s13;
	[dreg:$0x9] =	wrdreg s18  }
0x14: {  	s20 =	sadd.s32 $0x240600, s13;
	[dreg:$0xa] =	wrdreg s19  }
0x15: {  	s22 =	sadd.s32 $0xC2400, s13;
	[dreg:$0xb] =	wrdreg s20  }
0x16: {  	s23 =	sadd.s32 $0x182400, s13;
	[dreg:$0xd] =	wrdreg s22  }
0x17: {  	s24 =	sadd.s32 $0x242400, s13;
	[dreg:$0xe] =	wrdreg s23  }
0x18: {  	s26 =	sadd.s32 $0xC4200, s13;
	[dreg:$0xf] =	wrdreg s24  }
0x19: {  	s6 =	smul.u32 $0x30000, s6;
	s28 =	sadd.s32 $0x184200, s13;
	[dreg:$0x11] =	wrdreg s26  }
0x1a: {  	s31 =	simm.s32 $0x1100;
	s29 =	sadd.s32 $0x244200, s13;
	[dreg:$0x12] =	wrdreg s28  }
0x1b: {  	s6 =	sshrl.u32 s6, $0x3;
	s4 =	simm.s32 $0x400;
	[dreg:$0x13] =	wrdreg s29  }
0x1c: {  	s5 =	sadd.s32 s5, s6;
	s6 =	simm.s32 $0x3900;
	[dreg:$0x15] =	wrdreg s4  }
0x1d: {  	s2 =	ssub.s32 $0x2, s2;
	s13 =	simm.s32 $0x6900;
	[dreg:$0x17] =	wrdreg s6  }
0x1e: {  	s9 =	sshrl.u32 s2, $0x1;
	s21 =	sadd.s32 $0x2400, s5;
	[dreg:$0x1d] =	wrdreg s13  }
0x1f: {  	s2 =	ssub.s32 s2, s9;
	s25 =	sadd.s32 $0x4200, s5;
	[dreg:$0xc] =	wrdreg s21  }
0x20: {  	s9 =	simm.s32 $0x100;
	s5 =	simm.s32 $0x3100;
	[dreg:$0x10] =	wrdreg s25  }
0x21: {  	s10 =	simm.s32 $0x2900;
	s14 =	simm.s32 $0x7100;
	[dreg:$0x16] =	wrdreg s5  }
0x22: {  	s11 =	simm.s32 $0xF900;
	s15 =	simm.s32 $0x7900;
	[dreg:$0x1e] =	wrdreg s14  }
0x23: {  	s12 =	simm.s32 $0x10100;
	s16 =	simm.s32 $0x8100;
	[dreg:$0x1f] =	wrdreg s15  }
0x24: {  	s7 =	smax.u32 s2, $0x1;
	s17 =	simm.s32 $0x8900;
	[smem:$0x7F0] =	sst s16  }
0x25: {  	s2 =	simm.s32 $0x1900;
	s18 =	simm.s32 $0x9100;
	[smem:$0x7F1] =	sst s17  }
0x26: {  	s8 =	simm.s32 $0x15900;
	s19 =	simm.s32 $0x9900;
	[smem:$0x7F2] =	sst s18  }
0x27: {  	s6 =	sadd.s32 $0x200, s1;
	s20 =	simm.s32 $0xA100;
	[smem:$0x7F3] =	sst s19  }
0x28: {  	s22 =	simm.s32 $0xB100;
	s23 =	simm.s32 $0xB900;
	[smem:$0x7F4] =	sst s20  }
0x29: {  	s24 =	simm.s32 $0xC100;
	s26 =	simm.s32 $0xD100;
	[smem:$0x7F6] =	sst s22  }
0x2a: {  	s28 =	simm.s32 $0xD900;
	s29 =	simm.s32 $0xE100;
	[smem:$0x7F7] =	sst s23  }
0x2b: {  	s13 =	simm.s32 $0x10900;
	s4 =	simm.s32 $0x15100;
	[smem:$0x7F8] =	sst s24  }
0x2c: {  	s5 =	sadd.s32 $0x100, s1;
	s21 =	simm.s32 $0xA900;
	[smem:$0x7FA] =	sst s26  }
0x2d: {  	s15 =	simm.s32 $0xF100;
	s25 =	simm.s32 $0xC900;
	[smem:$0x7FB] =	sst s28  }
0x2e: {  	[smem:$0x7FC] =	sst s29;
	s23 =	simm.s32 $0x1;
	s24 =	simm.s32 $0x3  }
0x2f: {  	s26 =	simm.s32 $0x4;
	s14 =	simm.s32 $0x11100;
	s16 =	simm.s32 $0x11900  }
0x30: {  	v2 =	vlaneseq.u32;
	s17 =	simm.s32 $0x12100;
	s18 =	simm.s32 $0x12900;
	s19 =	simm.s32 $0x13100  }
0x31: {  	vm0 =	vmmov $0xffff;
	v1 =	vshrl.u32 v2, $0x3;
	s20 =	simm.s32 $0x13900;
	s22 =	simm.s32 $0x14900;
	[smem:$0x7F5] =	sst s21  }
0x32: {  	v0 =	vand.u32 $0x7, v2;
	v2 =	vor.u32 $0x8, v2;
	v1 =	vmul.u32 $0x8, v1;
	[smem:$0x7F9] =	sst s25;
	s25 =	simm.s32 $0x2;
	s21 =	simm.s32 $0x14100  }
.LBB2_1:
0x33: {  	s28 =	rddreg [dreg:$0x4]  }
0x34: {  	s29 =	rddreg [dreg:$0x14]  }
0x35: {  	s30 =	rddreg [dreg:$0x15];
	s0 =	simm.s32 $0x5  }
0x36: {  	[tilespmem:s3], [sflag:$0x5] =	stream.strided.gather [hbm4b:s28+s29], $0x100, s30, s29, $0x38;
	[tilespmem:$0x1E100] =	vst v63  }
0x37: {  	_ =	swait.ge [sflag:s0], $0x100  }
0x38: {  	[sflag:s0] =	ssyncset.done $0x0  }
0x39: {  	[sflag:s0] =	ssyncadd.s32 $0xFFFFFF00  }
0x3a: {  	v3 =	vld [tilespmem:$0x0];
	_ =	sdelay $0x4  }
0x3b: {  	v4 =	vshrl.u32 v3, $0x3  }
0x3c: {  	v4 =	vmul.u32 $0x30, v4  }
0x3d: {  	v3 =	vand.u32 $0x7, v3  }
0x3e: {  	v3 =	vor.u32 v3, v4  }
0x3f: {  	v4 =	vperm.xlane v3, v0;
	_ =	sdelay $0x1  }
0x40: {  	v4 =	vadd.s32 v1, v4;
	_ =	sdelay $0x3  }
0x41: {  	v3 =	vperm.xlane v3, v2  }
0x42: {  	[tilespmem:s9], [sflag:$0x1] =	stream.indirect_vreg.gather [hbm4b:s1+s3], $0x80, v4, vm0, $0xb8;
	[tilespmem:$0x1E100] =	vst v63  }
0x43: {  	s30 =	simm.s32 $0x900;
	v3 =	vadd.s32 v1, v3  }
0x44: {  	[tilespmem:s30], [sflag:$0x1] =	stream.indirect_vreg.gather [hbm4b:s5+s3], $0x80, v4, vm0, $0xb8;
	[tilespmem:$0x1E100] =	vst v63  }
0x45: {  	_ = 	snop  }
0x46: {  	[tilespmem:s31], [sflag:$0x1] =	stream.indirect_vreg.gather [hbm4b:s6+s3], $0x80, v4, vm0, $0xb8;
	[tilespmem:$0x1E100] =	vst v63  }
0x47: {  	_ = 	snop  }
0x48: {  	[tilespmem:s2], [sflag:$0x1] =	stream.indirect_vreg.gather [hbm4b:s1+s3], $0x80, v3, vm0, $0xb8;
	[tilespmem:$0x1E100] =	vst v63  }
0x49: {  	s0 =	simm.s32 $0x2100  }
0x4a: {  	[tilespmem:s0], [sflag:$0x1] =	stream.indirect_vreg.gather [hbm4b:s5+s3], $0x80, v3, vm0, $0xb8;
	[tilespmem:$0x1E100] =	vst v63  }
0x4b: {  	_ = 	snop  }
0x4c: {  	[tilespmem:s10], [sflag:$0x1] =	stream.indirect_vreg.gather [hbm4b:s6+s3], $0x80, v3, vm0, $0xb8;
	[tilespmem:$0x1E100] =	vst v63  }
0x4d: {  	v3 =	vld [tilespmem:$0x10];
	_ =	sdelay $0x4  }
0x4e: {  	v49 =	vshrl.u32 v3, $0x3  }
0x4f: {  	v4 =	vmul.u32 $0x30, v49  }
0x50: {  	v3 =	vand.u32 $0x7, v3  }
0x51: {  	v3 =	vor.u32 v3, v4  }
0x52: {  	v4 =	vperm.xlane v3, v0;
	_ =	sdelay $0x1  }
0x53: {  	v4 =	vadd.s32 v1, v4;
	_ =	sdelay $0x3  }
0x54: {  	v3 =	vperm.xlane v3, v2  }
0x55: {  	[tilespmem:s15], [sflag:$0x2] =	stream.indirect_vreg.gather [hbm4b:s1+s3], $0x80, v4, vm0, $0xb8;
	[tilespmem:$0x1E100] =	vst v63  }
0x56: {  	v3 =	vadd.s32 v1, v3  }
0x57: {  	[tilespmem:s11], [sflag:$0x2] =	stream.indirect_vreg.gather [hbm4b:s5+s3], $0x80, v4, vm0, $0xb8;
	[tilespmem:$0x1E100] =	vst v63  }
0x58: {  	_ = 	snop  }
0x59: {  	[tilespmem:s12], [sflag:$0x2] =	stream.indirect_vreg.gather [hbm4b:s6+s3], $0x80, v4, vm0, $0xb8;
	[tilespmem:$0x1E100] =	vst v63  }
0x5a: {  	_ = 	snop  }
0x5b: {  	[tilespmem:s13], [sflag:$0x2] =	stream.indirect_vreg.gather [hbm4b:s1+s3], $0x80, v3, vm0, $0xb8;
	[tilespmem:$0x1E100] =	vst v63  }
0x5c: {  	_ = 	snop  }
0x5d: {  	[tilespmem:s14], [sflag:$0x2] =	stream.indirect_vreg.gather [hbm4b:s5+s3], $0x80, v3, vm0, $0xb8;
	[tilespmem:$0x1E100] =	vst v63  }
0x5e: {  	_ = 	snop  }
0x5f: {  	[tilespmem:s16], [sflag:$0x2] =	stream.indirect_vreg.gather [hbm4b:s6+s3], $0x80, v3, vm0, $0xb8;
	[tilespmem:$0x1E100] =	vst v63  }
0x60: {  	v3 =	vld [tilespmem:$0x20];
	_ =	sdelay $0x4  }
0x61: {  	v50 =	vshrl.u32 v3, $0x3  }
0x62: {  	v4 =	vmul.u32 $0x30, v50  }
0x63: {  	v3 =	vand.u32 $0x7, v3  }
0x64: {  	v3 =	vor.u32 v3, v4  }
0x65: {  	v4 =	vperm.xlane v3, v0;
	_ =	sdelay $0x1  }
0x66: {  	v4 =	vadd.s32 v1, v4;
	_ =	sdelay $0x3  }
0x67: {  	v3 =	vperm.xlane v3, v2  }
0x68: {  	[tilespmem:s17], [sflag:$0x2] =	stream.indirect_vreg.gather [hbm4b:s1+s3], $0x80, v4, vm0, $0xb8;
	[tilespmem:$0x1E100] =	vst v63  }
0x69: {  	v3 =	vadd.s32 v1, v3  }
0x6a: {  	[tilespmem:s18], [sflag:$0x2] =	stream.indirect_vreg.gather [hbm4b:s5+s3], $0x80, v4, vm0, $0xb8;
	[tilespmem:$0x1E100] =	vst v63  }
0x6b: {  	_ = 	snop  }
0x6c: {  	[tilespmem:s19], [sflag:$0x2] =	stream.indirect_vreg.gather [hbm4b:s6+s3], $0x80, v4, vm0, $0xb8;
	[tilespmem:$0x1E100] =	vst v63  }
0x6d: {  	_ = 	snop  }
0x6e: {  	[tilespmem:s20], [sflag:$0x2] =	stream.indirect_vreg.gather [hbm4b:s1+s3], $0x80, v3, vm0, $0xb8;
	[tilespmem:$0x1E100] =	vst v63  }
0x6f: {  	_ = 	snop  }
0x70: {  	[tilespmem:s21], [sflag:$0x2] =	stream.indirect_vreg.gather [hbm4b:s5+s3], $0x80, v3, vm0, $0xb8;
	[tilespmem:$0x1E100] =	vst v63  }
0x71: {  	_ = 	snop  }
0x72: {  	[tilespmem:s22], [sflag:$0x2] =	stream.indirect_vreg.gather [hbm4b:s6+s3], $0x80, v3, vm0, $0xb8;
	[tilespmem:$0x1E100] =	vst v63  }
0x73: {  	v3 =	vld [tilespmem:$0x30];
	_ =	sdelay $0x4  }
0x74: {  	v51 =	vshrl.u32 v3, $0x3  }
0x75: {  	v4 =	vmul.u32 $0x30, v51  }
0x76: {  	v3 =	vand.u32 $0x7, v3  }
0x77: {  	v3 =	vor.u32 v3, v4  }
0x78: {  	v4 =	vperm.xlane v3, v0;
	_ =	sdelay $0x1  }
0x79: {  	v4 =	vadd.s32 v1, v4;
	_ =	sdelay $0x3  }
0x7a: {  	v3 =	vperm.xlane v3, v2  }
0x7b: {  	[tilespmem:s4], [sflag:$0x2] =	stream.indirect_vreg.gather [hbm4b:s1+s3], $0x80, v4, vm0, $0xb8;
	[tilespmem:$0x1E100] =	vst v63  }
0x7c: {  	v3 =	vadd.s32 v1, v3  }
0x7d: {  	[tilespmem:s8], [sflag:$0x2] =	stream.indirect_vreg.gather [hbm4b:s5+s3], $0x80, v4, vm0, $0xb8;
	[tilespmem:$0x1E100] =	vst v63  }
0x7e: {  	s29 =	simm.s32 $0x16100  }
0x7f: {  	[tilespmem:s29], [sflag:$0x2] =	stream.indirect_vreg.gather [hbm4b:s6+s3], $0x80, v4, vm0, $0xb8;
	[tilespmem:$0x1E100] =	vst v63  }
0x80: {  	s29 =	simm.s32 $0x16900  }
0x81: {  	[tilespmem:s29], [sflag:$0x2] =	stream.indirect_vreg.gather [hbm4b:s1+s3], $0x80, v3, vm0, $0xb8;
	[tilespmem:$0x1E100] =	vst v63  }
0x82: {  	s29 =	simm.s32 $0x17100  }
0x83: {  	[tilespmem:s29], [sflag:$0x2] =	stream.indirect_vreg.gather [hbm4b:s5+s3], $0x80, v3, vm0, $0xb8;
	[tilespmem:$0x1E100] =	vst v63  }
0x84: {  	s29 =	simm.s32 $0x17900  }
0x85: {  	[tilespmem:s29], [sflag:$0x2] =	stream.indirect_vreg.gather [hbm4b:s6+s3], $0x80, v3, vm0, $0xb8;
	[tilespmem:$0x1E100] =	vst v63  }
0x86: {  	v3 =	vld [tilespmem:$0x40];
	_ =	sdelay $0x4  }
0x87: {  	v52 =	vshrl.u32 v3, $0x3  }
0x88: {  	v4 =	vmul.u32 $0x30, v52  }
0x89: {  	v3 =	vand.u32 $0x7, v3  }
0x8a: {  	v3 =	vor.u32 v3, v4  }
0x8b: {  	v4 =	vperm.xlane v3, v0;
	_ =	sdelay $0x1  }
0x8c: {  	v4 =	vadd.s32 v1, v4;
	_ =	sdelay $0x3  }
0x8d: {  	s29 =	simm.s32 $0x18100;
	v3 =	vperm.xlane v3, v2  }
0x8e: {  	[tilespmem:s29], [sflag:$0x2] =	stream.indirect_vreg.gather [hbm4b:s1+s3], $0x80, v4, vm0, $0xb8;
	[tilespmem:$0x1E100] =	vst v63  }
0x8f: {  	v3 =	vadd.s32 v1, v3;
	s29 =	simm.s32 $0x18900  }
0x90: {  	[tilespmem:s29], [sflag:$0x2] =	stream.indirect_vreg.gather [hbm4b:s5+s3], $0x80, v4, vm0, $0xb8;
	[tilespmem:$0x1E100] =	vst v63  }
0x91: {  	s29 =	simm.s32 $0x19100  }
0x92: {  	[tilespmem:s29], [sflag:$0x2] =	stream.indirect_vreg.gather [hbm4b:s6+s3], $0x80, v4, vm0, $0xb8;
	[tilespmem:$0x1E100] =	vst v63  }
0x93: {  	s29 =	simm.s32 $0x19900  }
0x94: {  	[tilespmem:s29], [sflag:$0x2] =	stream.indirect_vreg.gather [hbm4b:s1+s3], $0x80, v3, vm0, $0xb8;
	[tilespmem:$0x1E100] =	vst v63  }
0x95: {  	s29 =	simm.s32 $0x1A100  }
0x96: {  	[tilespmem:s29], [sflag:$0x2] =	stream.indirect_vreg.gather [hbm4b:s5+s3], $0x80, v3, vm0, $0xb8;
	[tilespmem:$0x1E100] =	vst v63  }
0x97: {  	s29 =	simm.s32 $0x1A900  }
0x98: {  	[tilespmem:s29], [sflag:$0x2] =	stream.indirect_vreg.gather [hbm4b:s6+s3], $0x80, v3, vm0, $0xb8;
	[tilespmem:$0x1E100] =	vst v63  }
0x99: {  	v3 =	vld [tilespmem:$0x50];
	_ =	sdelay $0x4  }
0x9a: {  	v53 =	vshrl.u32 v3, $0x3  }
0x9b: {  	v4 =	vmul.u32 $0x30, v53  }
0x9c: {  	v3 =	vand.u32 $0x7, v3  }
0x9d: {  	v3 =	vor.u32 v3, v4  }
0x9e: {  	v4 =	vperm.xlane v3, v0;
	_ =	sdelay $0x1  }
0x9f: {  	v4 =	vadd.s32 v1, v4;
	_ =	sdelay $0x3  }
0xa0: {  	s29 =	simm.s32 $0x1B100;
	v3 =	vperm.xlane v3, v2  }
0xa1: {  	[tilespmem:s29], [sflag:$0x2] =	stream.indirect_vreg.gather [hbm4b:s1+s3], $0x80, v4, vm0, $0xb8;
	[tilespmem:$0x1E100] =	vst v63  }
0xa2: {  	v3 =	vadd.s32 v1, v3;
	s29 =	simm.s32 $0x1B900  }
0xa3: {  	[tilespmem:s29], [sflag:$0x2] =	stream.indirect_vreg.gather [hbm4b:s5+s3], $0x80, v4, vm0, $0xb8;
	[tilespmem:$0x1E100] =	vst v63  }
0xa4: {  	s29 =	simm.s32 $0x1C100  }
0xa5: {  	[tilespmem:s29], [sflag:$0x2] =	stream.indirect_vreg.gather [hbm4b:s6+s3], $0x80, v4, vm0, $0xb8;
	[tilespmem:$0x1E100] =	vst v63  }
0xa6: {  	s29 =	simm.s32 $0x1C900  }
0xa7: {  	[tilespmem:s29], [sflag:$0x2] =	stream.indirect_vreg.gather [hbm4b:s1+s3], $0x80, v3, vm0, $0xb8;
	[tilespmem:$0x1E100] =	vst v63  }
0xa8: {  	s29 =	simm.s32 $0x1D100  }
0xa9: {  	[tilespmem:s29], [sflag:$0x2] =	stream.indirect_vreg.gather [hbm4b:s5+s3], $0x80, v3, vm0, $0xb8;
	[tilespmem:$0x1E100] =	vst v63  }
0xaa: {  	s29 =	simm.s32 $0x1D900  }
0xab: {  	[tilespmem:s29], [sflag:$0x2] =	stream.indirect_vreg.gather [hbm4b:s6+s3], $0x80, v3, vm0, $0xb8;
	[tilespmem:$0x1E100] =	vst v63  }
0xac: {  	_ =	swait.ge [sflag:s23], $0x3000  }
0xad: {  	s29 =	sld [smem:$0x7EF]  }
0xae: {  	[sflag:s23] =	ssyncset.done $0x0  }
0xaf: {  	[sflag:s23] =	ssyncadd.s32 $0xFFFFD000  }
0xb0: {  	[hbm4b:s29+s3] =	stream.linear.scatter [tilespmem:s9], [sflag:$0x3], $0x3000, $0x38;
	[tilespmem:$0x1E100] =	vst v63  }
0xb1: {  	s28 =	rddreg [dreg:$0x5]  }
0xb2: {  	[hbm4b:s28+s3] =	stream.linear.scatter [tilespmem:s9], [sflag:$0x3], $0x3000, $0x38;
	[tilespmem:$0x1E100] =	vst v63  }
0xb3: {  	s29 =	rddreg [dreg:$0x6]  }
0xb4: {  	[hbm4b:s29+s3] =	stream.linear.scatter [tilespmem:s9], [sflag:$0x3], $0x3000, $0x38;
	[tilespmem:$0x1E100] =	vst v63  }
0xb5: {  	s28 =	rddreg [dreg:$0x7]  }
0xb6: {  	[hbm4b:s28+s3] =	stream.linear.scatter [tilespmem:s9], [sflag:$0x3], $0x3000, $0x38;
	[tilespmem:$0x1E100] =	vst v63  }
0xb7: {  	_ =	swait.ge [sflag:s24], $0x3000  }
0xb8: {  	[sflag:s24] =	ssyncset.done $0x0  }
0xb9: {  	[sflag:s24] =	ssyncadd.s32 $0xFFFFD000  }
0xba: {  	_ =	swait.ge [sflag:s24], $0x3000  }
0xbb: {  	[sflag:s24] =	ssyncset.done $0x0  }
0xbc: {  	[sflag:s24] =	ssyncadd.s32 $0xFFFFD000  }
0xbd: {  	_ =	swait.ge [sflag:s24], $0x3000  }
0xbe: {  	[sflag:s24] =	ssyncset.done $0x0  }
0xbf: {  	[sflag:s24] =	ssyncadd.s32 $0xFFFFD000  }
0xc0: {  	_ =	swait.ge [sflag:s24], $0x3000  }
0xc1: {  	[sflag:s24] =	ssyncset.done $0x0  }
0xc2: {  	[sflag:s24] =	ssyncadd.s32 $0xFFFFD000  }
0xc3: {  	v3 =	vld [tilespmem:$0x60];
	_ =	sdelay $0x4  }
0xc4: {  	v54 =	vshrl.u32 v3, $0x3  }
0xc5: {  	v4 =	vmul.u32 $0x30, v54  }
0xc6: {  	v3 =	vand.u32 $0x7, v3  }
0xc7: {  	v3 =	vor.u32 v3, v4  }
0xc8: {  	v4 =	vperm.xlane v3, v0;
	_ =	sdelay $0x1  }
0xc9: {  	v4 =	vadd.s32 v1, v4;
	_ =	sdelay $0x3  }
0xca: {  	v3 =	vperm.xlane v3, v2  }
0xcb: {  	[tilespmem:s9], [sflag:$0x1] =	stream.indirect_vreg.gather [hbm4b:s1+s3], $0x80, v4, vm0, $0xb8;
	[tilespmem:$0x1E100] =	vst v63  }
0xcc: {  	v3 =	vadd.s32 v1, v3  }
0xcd: {  	[tilespmem:s30], [sflag:$0x1] =	stream.indirect_vreg.gather [hbm4b:s5+s3], $0x80, v4, vm0, $0xb8;
	[tilespmem:$0x1E100] =	vst v63  }
0xce: {  	_ = 	snop  }
0xcf: {  	[tilespmem:s31], [sflag:$0x1] =	stream.indirect_vreg.gather [hbm4b:s6+s3], $0x80, v4, vm0, $0xb8;
	[tilespmem:$0x1E100] =	vst v63  }
0xd0: {  	_ = 	snop  }
0xd1: {  	[tilespmem:s2], [sflag:$0x1] =	stream.indirect_vreg.gather [hbm4b:s1+s3], $0x80, v3, vm0, $0xb8;
	[tilespmem:$0x1E100] =	vst v63  }
0xd2: {  	_ = 	snop  }
0xd3: {  	[tilespmem:s0], [sflag:$0x1] =	stream.indirect_vreg.gather [hbm4b:s5+s3], $0x80, v3, vm0, $0xb8;
	[tilespmem:$0x1E100] =	vst v63  }
0xd4: {  	_ = 	snop  }
0xd5: {  	[tilespmem:s10], [sflag:$0x1] =	stream.indirect_vreg.gather [hbm4b:s6+s3], $0x80, v3, vm0, $0xb8;
	[tilespmem:$0x1E100] =	vst v63  }
0xd6: {  	v3 =	vld [tilespmem:$0x70];
	_ =	sdelay $0x4  }
0xd7: {  	v55 =	vshrl.u32 v3, $0x3  }
0xd8: {  	v4 =	vmul.u32 $0x30, v55  }
0xd9: {  	v3 =	vand.u32 $0x7, v3  }
0xda: {  	v3 =	vor.u32 v3, v4  }
0xdb: {  	v4 =	vperm.xlane v3, v0;
	_ =	sdelay $0x1  }
0xdc: {  	v4 =	vadd.s32 v1, v4;
	_ =	sdelay $0x3  }
0xdd: {  	s30 =	rddreg [dreg:$0x16];
	v3 =	vperm.xlane v3, v2  }
0xde: {  	[tilespmem:s30], [sflag:$0x1] =	stream.indirect_vreg.gather [hbm4b:s1+s3], $0x80, v4, vm0, $0xb8;
	[tilespmem:$0x1E100] =	vst v63  }
0xdf: {  	s0 =	rddreg [dreg:$0x17];
	v3 =	vadd.s32 v1, v3  }
0xe0: {  	[tilespmem:s0], [sflag:$0x1] =	stream.indirect_vreg.gather [hbm4b:s5+s3], $0x80, v4, vm0, $0xb8;
	[tilespmem:$0x1E100] =	vst v63  }
0xe1: {  	s30 =	rddreg [dreg:$0x18]  }
0xe2: {  	[tilespmem:s30], [sflag:$0x1] =	stream.indirect_vreg.gather [hbm4b:s6+s3], $0x80, v4, vm0, $0xb8;
	[tilespmem:$0x1E100] =	vst v63  }
0xe3: {  	s0 =	rddreg [dreg:$0x19]  }
0xe4: {  	[tilespmem:s0], [sflag:$0x1] =	stream.indirect_vreg.gather [hbm4b:s1+s3], $0x80, v3, vm0, $0xb8;
	[tilespmem:$0x1E100] =	vst v63  }
0xe5: {  	s30 =	rddreg [dreg:$0x1a]  }
0xe6: {  	[tilespmem:s30], [sflag:$0x1] =	stream.indirect_vreg.gather [hbm4b:s5+s3], $0x80, v3, vm0, $0xb8;
	[tilespmem:$0x1E100] =	vst v63  }
0xe7: {  	s0 =	rddreg [dreg:$0x1b]  }
0xe8: {  	[tilespmem:s0], [sflag:$0x1] =	stream.indirect_vreg.gather [hbm4b:s6+s3], $0x80, v3, vm0, $0xb8;
	[tilespmem:$0x1E100] =	vst v63  }
0xe9: {  	v3 =	vld [tilespmem:$0x80];
	_ =	sdelay $0x4  }
0xea: {  	v56 =	vshrl.u32 v3, $0x3  }
0xeb: {  	v4 =	vmul.u32 $0x30, v56  }
0xec: {  	v3 =	vand.u32 $0x7, v3  }
0xed: {  	v3 =	vor.u32 v3, v4  }
0xee: {  	v4 =	vperm.xlane v3, v0;
	_ =	sdelay $0x1  }
0xef: {  	v4 =	vadd.s32 v1, v4;
	_ =	sdelay $0x2  }
0xf0: {  	s30 =	rddreg [dreg:$0x1c]  }
0xf1: {  	s0 =	rddreg [dreg:$0x1d];
	v3 =	vperm.xlane v3, v2  }
0xf2: {  	[tilespmem:s30], [sflag:$0x1] =	stream.indirect_vreg.gather [hbm4b:s1+s3], $0x80, v4, vm0, $0xb8;
	[tilespmem:$0x1E100] =	vst v63  }
0xf3: {  	v3 =	vadd.s32 v1, v3;
	s30 =	rddreg [dreg:$0x1e]  }
0xf4: {  	[tilespmem:s0], [sflag:$0x1] =	stream.indirect_vreg.gather [hbm4b:s5+s3], $0x80, v4, vm0, $0xb8;
	[tilespmem:$0x1E100] =	vst v63  }
0xf5: {  	s0 =	rddreg [dreg:$0x1f]  }
0xf6: {  	[tilespmem:s30], [sflag:$0x1] =	stream.indirect_vreg.gather [hbm4b:s6+s3], $0x80, v4, vm0, $0xb8;
	[tilespmem:$0x1E100] =	vst v63  }
0xf7: {  	s30 =	sld [smem:$0x7F0]  }
0xf8: {  	[tilespmem:s0], [sflag:$0x1] =	stream.indirect_vreg.gather [hbm4b:s1+s3], $0x80, v3, vm0, $0xb8;
	[tilespmem:$0x1E100] =	vst v63  }
0xf9: {  	s0 =	sld [smem:$0x7F1]  }
0xfa: {  	[tilespmem:s30], [sflag:$0x1] =	stream.indirect_vreg.gather [hbm4b:s5+s3], $0x80, v3, vm0, $0xb8;
	[tilespmem:$0x1E100] =	vst v63  }
0xfb: {  	_ = 	snop  }
0xfc: {  	[tilespmem:s0], [sflag:$0x1] =	stream.indirect_vreg.gather [hbm4b:s6+s3], $0x80, v3, vm0, $0xb8;
	[tilespmem:$0x1E100] =	vst v63  }
0xfd: {  	v3 =	vld [tilespmem:$0x90];
	_ =	sdelay $0x4  }
0xfe: {  	v57 =	vshrl.u32 v3, $0x3  }
0xff: {  	v4 =	vmul.u32 $0x30, v57  }
0x100: {  	v3 =	vand.u32 $0x7, v3  }
0x101: {  	v3 =	vor.u32 v3, v4  }
0x102: {  	v4 =	vperm.xlane v3, v0;
	_ =	sdelay $0x1  }
0x103: {  	v4 =	vadd.s32 v1, v4;
	_ =	sdelay $0x1  }
0x104: {  	s30 =	sld [smem:$0x7F2];
	_ =	sdelay $0x1  }
0x105: {  	s0 =	sld [smem:$0x7F3];
	v3 =	vperm.xlane v3, v2  }
0x106: {  	[tilespmem:s30], [sflag:$0x1] =	stream.indirect_vreg.gather [hbm4b:s1+s3], $0x80, v4, vm0, $0xb8;
	[tilespmem:$0x1E100] =	vst v63  }
0x107: {  	v3 =	vadd.s32 v1, v3;
	s30 =	sld [smem:$0x7F4]  }
0x108: {  	[tilespmem:s0], [sflag:$0x1] =	stream.indirect_vreg.gather [hbm4b:s5+s3], $0x80, v4, vm0, $0xb8;
	[tilespmem:$0x1E100] =	vst v63  }
0x109: {  	s0 =	sld [smem:$0x7F5]  }
0x10a: {  	[tilespmem:s30], [sflag:$0x1] =	stream.indirect_vreg.gather [hbm4b:s6+s3], $0x80, v4, vm0, $0xb8;
	[tilespmem:$0x1E100] =	vst v63  }
0x10b: {  	s30 =	sld [smem:$0x7F6]  }
0x10c: {  	[tilespmem:s0], [sflag:$0x1] =	stream.indirect_vreg.gather [hbm4b:s1+s3], $0x80, v3, vm0, $0xb8;
	[tilespmem:$0x1E100] =	vst v63  }
0x10d: {  	s0 =	sld [smem:$0x7F7]  }
0x10e: {  	[tilespmem:s30], [sflag:$0x1] =	stream.indirect_vreg.gather [hbm4b:s5+s3], $0x80, v3, vm0, $0xb8;
	[tilespmem:$0x1E100] =	vst v63  }
0x10f: {  	_ = 	snop  }
0x110: {  	[tilespmem:s0], [sflag:$0x1] =	stream.indirect_vreg.gather [hbm4b:s6+s3], $0x80, v3, vm0, $0xb8;
	[tilespmem:$0x1E100] =	vst v63  }
0x111: {  	v3 =	vld [tilespmem:$0xA0];
	_ =	sdelay $0x4  }
0x112: {  	v58 =	vshrl.u32 v3, $0x3  }
0x113: {  	v4 =	vmul.u32 $0x30, v58  }
0x114: {  	v3 =	vand.u32 $0x7, v3  }
0x115: {  	v3 =	vor.u32 v3, v4  }
0x116: {  	v4 =	vperm.xlane v3, v0;
	_ =	sdelay $0x1  }
0x117: {  	v4 =	vadd.s32 v1, v4;
	_ =	sdelay $0x1  }
0x118: {  	s30 =	sld [smem:$0x7F8];
	_ =	sdelay $0x1  }
0x119: {  	s0 =	sld [smem:$0x7F9];
	v3 =	vperm.xlane v3, v2  }
0x11a: {  	[tilespmem:s30], [sflag:$0x1] =	stream.indirect_vreg.gather [hbm4b:s1+s3], $0x80, v4, vm0, $0xb8;
	[tilespmem:$0x1E100] =	vst v63  }
0x11b: {  	v3 =	vadd.s32 v1, v3;
	s30 =	sld [smem:$0x7FA]  }
0x11c: {  	[tilespmem:s0], [sflag:$0x1] =	stream.indirect_vreg.gather [hbm4b:s5+s3], $0x80, v4, vm0, $0xb8;
	[tilespmem:$0x1E100] =	vst v63  }
0x11d: {  	s0 =	sld [smem:$0x7FB]  }
0x11e: {  	[tilespmem:s30], [sflag:$0x1] =	stream.indirect_vreg.gather [hbm4b:s6+s3], $0x80, v4, vm0, $0xb8;
	[tilespmem:$0x1E100] =	vst v63  }
0x11f: {  	s30 =	sld [smem:$0x7FC]  }
0x120: {  	[tilespmem:s0], [sflag:$0x1] =	stream.indirect_vreg.gather [hbm4b:s1+s3], $0x80, v3, vm0, $0xb8;
	[tilespmem:$0x1E100] =	vst v63  }
0x121: {  	s0 =	sld [smem:$0x7FD]  }
0x122: {  	[tilespmem:s30], [sflag:$0x1] =	stream.indirect_vreg.gather [hbm4b:s5+s3], $0x80, v3, vm0, $0xb8;
	[tilespmem:$0x1E100] =	vst v63  }
0x123: {  	_ = 	snop  }
0x124: {  	[tilespmem:s0], [sflag:$0x1] =	stream.indirect_vreg.gather [hbm4b:s6+s3], $0x80, v3, vm0, $0xb8;
	[tilespmem:$0x1E100] =	vst v63  }
0x125: {  	_ =	swait.ge [sflag:s25], $0xF000  }
0x126: {  	[sflag:s25] =	ssyncset.done $0x0  }
0x127: {  	s30 =	rddreg [dreg:$0x8];
	[sflag:s25] =	ssyncadd.s32 $0xFFFF1000  }
0x128: {  	[hbm4b:s30+s3] =	stream.linear.scatter [tilespmem:s15], [sflag:$0x4], $0xF000, $0x38;
	[tilespmem:$0x1E100] =	vst v63  }
0x129: {  	s0 =	rddreg [dreg:$0x9]  }
0x12a: {  	[hbm4b:s0+s3] =	stream.linear.scatter [tilespmem:s15], [sflag:$0x4], $0xF000, $0x38;
	[tilespmem:$0x1E100] =	vst v63  }
0x12b: {  	s30 =	rddreg [dreg:$0xa]  }
0x12c: {  	[hbm4b:s30+s3] =	stream.linear.scatter [tilespmem:s15], [sflag:$0x4], $0xF000, $0x38;
	[tilespmem:$0x1E100] =	vst v63  }
0x12d: {  	s0 =	rddreg [dreg:$0xb]  }
0x12e: {  	[hbm4b:s0+s3] =	stream.linear.scatter [tilespmem:s15], [sflag:$0x4], $0xF000, $0x38;
	[tilespmem:$0x1E100] =	vst v63  }
0x12f: {  	_ =	swait.ge [sflag:s26], $0xF000  }
0x130: {  	[sflag:s26] =	ssyncset.done $0x0  }
0x131: {  	[sflag:s26] =	ssyncadd.s32 $0xFFFF1000  }
0x132: {  	_ =	swait.ge [sflag:s26], $0xF000  }
0x133: {  	[sflag:s26] =	ssyncset.done $0x0  }
0x134: {  	[sflag:s26] =	ssyncadd.s32 $0xFFFF1000  }
0x135: {  	_ =	swait.ge [sflag:s26], $0xF000  }
0x136: {  	[sflag:s26] =	ssyncset.done $0x0  }
0x137: {  	[sflag:s26] =	ssyncadd.s32 $0xFFFF1000  }
0x138: {  	_ =	swait.ge [sflag:s26], $0xF000  }
0x139: {  	[sflag:s26] =	ssyncset.done $0x0  }
0x13a: {  	[sflag:s26] =	ssyncadd.s32 $0xFFFF1000  }
0x13b: {  	v3 =	vld [tilespmem:$0xB0];
	_ =	sdelay $0x4  }
0x13c: {  	v59 =	vshrl.u32 v3, $0x3  }
0x13d: {  	v4 =	vmul.u32 $0x30, v59  }
0x13e: {  	v3 =	vand.u32 $0x7, v3  }
0x13f: {  	v3 =	vor.u32 v3, v4  }
0x140: {  	v4 =	vperm.xlane v3, v0;
	_ =	sdelay $0x1  }
0x141: {  	v4 =	vadd.s32 v1, v4;
	_ =	sdelay $0x3  }
0x142: {  	v3 =	vperm.xlane v3, v2  }
0x143: {  	[tilespmem:s15], [sflag:$0x2] =	stream.indirect_vreg.gather [hbm4b:s1+s3], $0x80, v4, vm0, $0xb8;
	[tilespmem:$0x1E100] =	vst v63  }
0x144: {  	v3 =	vadd.s32 v1, v3  }
0x145: {  	[tilespmem:s11], [sflag:$0x2] =	stream.indirect_vreg.gather [hbm4b:s5+s3], $0x80, v4, vm0, $0xb8;
	[tilespmem:$0x1E100] =	vst v63  }
0x146: {  	_ = 	snop  }
0x147: {  	[tilespmem:s12], [sflag:$0x2] =	stream.indirect_vreg.gather [hbm4b:s6+s3], $0x80, v4, vm0, $0xb8;
	[tilespmem:$0x1E100] =	vst v63  }
0x148: {  	_ = 	snop  }
0x149: {  	[tilespmem:s13], [sflag:$0x2] =	stream.indirect_vreg.gather [hbm4b:s1+s3], $0x80, v3, vm0, $0xb8;
	[tilespmem:$0x1E100] =	vst v63  }
0x14a: {  	_ = 	snop  }
0x14b: {  	[tilespmem:s14], [sflag:$0x2] =	stream.indirect_vreg.gather [hbm4b:s5+s3], $0x80, v3, vm0, $0xb8;
	[tilespmem:$0x1E100] =	vst v63  }
0x14c: {  	_ = 	snop  }
0x14d: {  	[tilespmem:s16], [sflag:$0x2] =	stream.indirect_vreg.gather [hbm4b:s6+s3], $0x80, v3, vm0, $0xb8;
	[tilespmem:$0x1E100] =	vst v63  }
0x14e: {  	v3 =	vld [tilespmem:$0xC0];
	_ =	sdelay $0x4  }
0x14f: {  	v60 =	vshrl.u32 v3, $0x3  }
0x150: {  	v4 =	vmul.u32 $0x30, v60  }
0x151: {  	v3 =	vand.u32 $0x7, v3  }
0x152: {  	v3 =	vor.u32 v3, v4  }
0x153: {  	v4 =	vperm.xlane v3, v0;
	_ =	sdelay $0x1  }
0x154: {  	v4 =	vadd.s32 v1, v4;
	_ =	sdelay $0x3  }
0x155: {  	v3 =	vperm.xlane v3, v2  }
0x156: {  	[tilespmem:s17], [sflag:$0x2] =	stream.indirect_vreg.gather [hbm4b:s1+s3], $0x80, v4, vm0, $0xb8;
	[tilespmem:$0x1E100] =	vst v63  }
0x157: {  	v3 =	vadd.s32 v1, v3  }
0x158: {  	[tilespmem:s18], [sflag:$0x2] =	stream.indirect_vreg.gather [hbm4b:s5+s3], $0x80, v4, vm0, $0xb8;
	[tilespmem:$0x1E100] =	vst v63  }
0x159: {  	_ = 	snop  }
0x15a: {  	[tilespmem:s19], [sflag:$0x2] =	stream.indirect_vreg.gather [hbm4b:s6+s3], $0x80, v4, vm0, $0xb8;
	[tilespmem:$0x1E100] =	vst v63  }
0x15b: {  	_ = 	snop  }
0x15c: {  	[tilespmem:s20], [sflag:$0x2] =	stream.indirect_vreg.gather [hbm4b:s1+s3], $0x80, v3, vm0, $0xb8;
	[tilespmem:$0x1E100] =	vst v63  }
0x15d: {  	_ = 	snop  }
0x15e: {  	[tilespmem:s21], [sflag:$0x2] =	stream.indirect_vreg.gather [hbm4b:s5+s3], $0x80, v3, vm0, $0xb8;
	[tilespmem:$0x1E100] =	vst v63  }
0x15f: {  	_ = 	snop  }
0x160: {  	[tilespmem:s22], [sflag:$0x2] =	stream.indirect_vreg.gather [hbm4b:s6+s3], $0x80, v3, vm0, $0xb8;
	[tilespmem:$0x1E100] =	vst v63  }
0x161: {  	v3 =	vld [tilespmem:$0xD0];
	_ =	sdelay $0x4  }
0x162: {  	v61 =	vshrl.u32 v3, $0x3  }
0x163: {  	v4 =	vmul.u32 $0x30, v61  }
0x164: {  	v3 =	vand.u32 $0x7, v3  }
0x165: {  	v3 =	vor.u32 v3, v4  }
0x166: {  	v4 =	vperm.xlane v3, v0;
	_ =	sdelay $0x1  }
0x167: {  	v4 =	vadd.s32 v1, v4;
	_ =	sdelay $0x3  }
0x168: {  	v3 =	vperm.xlane v3, v2  }
0x169: {  	[tilespmem:s4], [sflag:$0x2] =	stream.indirect_vreg.gather [hbm4b:s1+s3], $0x80, v4, vm0, $0xb8;
	[tilespmem:$0x1E100] =	vst v63  }
0x16a: {  	v3 =	vadd.s32 v1, v3  }
0x16b: {  	[tilespmem:s8], [sflag:$0x2] =	stream.indirect_vreg.gather [hbm4b:s5+s3], $0x80, v4, vm0, $0xb8;
	[tilespmem:$0x1E100] =	vst v63  }
0x16c: {  	s30 =	simm.s32 $0x16100  }
0x16d: {  	[tilespmem:s30], [sflag:$0x2] =	stream.indirect_vreg.gather [hbm4b:s6+s3], $0x80, v4, vm0, $0xb8;
	[tilespmem:$0x1E100] =	vst v63  }
0x16e: {  	s28 =	simm.s32 $0x16900  }
0x16f: {  	[tilespmem:s28], [sflag:$0x2] =	stream.indirect_vreg.gather [hbm4b:s1+s3], $0x80, v3, vm0, $0xb8;
	[tilespmem:$0x1E100] =	vst v63  }
0x170: {  	s29 =	simm.s32 $0x17100  }
0x171: {  	[tilespmem:s29], [sflag:$0x2] =	stream.indirect_vreg.gather [hbm4b:s5+s3], $0x80, v3, vm0, $0xb8;
	[tilespmem:$0x1E100] =	vst v63  }
0x172: {  	s30 =	simm.s32 $0x17900  }
0x173: {  	[tilespmem:s30], [sflag:$0x2] =	stream.indirect_vreg.gather [hbm4b:s6+s3], $0x80, v3, vm0, $0xb8;
	[tilespmem:$0x1E100] =	vst v63  }
0x174: {  	v3 =	vld [tilespmem:$0xE0];
	_ =	sdelay $0x4  }
0x175: {  	v62 =	vshrl.u32 v3, $0x3  }
0x176: {  	v4 =	vmul.u32 $0x30, v62  }
0x177: {  	v3 =	vand.u32 $0x7, v3  }
0x178: {  	v3 =	vor.u32 v3, v4  }
0x179: {  	v4 =	vperm.xlane v3, v0;
	_ =	sdelay $0x1  }
0x17a: {  	v4 =	vadd.s32 v1, v4;
	_ =	sdelay $0x3  }
0x17b: {  	s28 =	simm.s32 $0x18100;
	v3 =	vperm.xlane v3, v2  }
0x17c: {  	[tilespmem:s28], [sflag:$0x2] =	stream.indirect_vreg.gather [hbm4b:s1+s3], $0x80, v4, vm0, $0xb8;
	[tilespmem:$0x1E100] =	vst v63  }
0x17d: {  	s29 =	simm.s32 $0x18900;
	v3 =	vadd.s32 v1, v3  }
0x17e: {  	[tilespmem:s29], [sflag:$0x2] =	stream.indirect_vreg.gather [hbm4b:s5+s3], $0x80, v4, vm0, $0xb8;
	[tilespmem:$0x1E100] =	vst v63  }
0x17f: {  	s30 =	simm.s32 $0x19100  }
0x180: {  	[tilespmem:s30], [sflag:$0x2] =	stream.indirect_vreg.gather [hbm4b:s6+s3], $0x80, v4, vm0, $0xb8;
	[tilespmem:$0x1E100] =	vst v63  }
0x181: {  	s28 =	simm.s32 $0x19900  }
0x182: {  	[tilespmem:s28], [sflag:$0x2] =	stream.indirect_vreg.gather [hbm4b:s1+s3], $0x80, v3, vm0, $0xb8;
	[tilespmem:$0x1E100] =	vst v63  }
0x183: {  	s29 =	simm.s32 $0x1A100  }
0x184: {  	[tilespmem:s29], [sflag:$0x2] =	stream.indirect_vreg.gather [hbm4b:s5+s3], $0x80, v3, vm0, $0xb8;
	[tilespmem:$0x1E100] =	vst v63  }
0x185: {  	s30 =	simm.s32 $0x1A900  }
0x186: {  	[tilespmem:s30], [sflag:$0x2] =	stream.indirect_vreg.gather [hbm4b:s6+s3], $0x80, v3, vm0, $0xb8;
	[tilespmem:$0x1E100] =	vst v63  }
0x187: {  	v3 =	vld [tilespmem:$0xF0];
	_ =	sdelay $0x4  }
0x188: {  	v63 =	vshrl.u32 v3, $0x3  }
0x189: {  	v4 =	vmul.u32 $0x30, v63  }
0x18a: {  	v3 =	vand.u32 $0x7, v3  }
0x18b: {  	v3 =	vor.u32 v3, v4  }
0x18c: {  	v4 =	vperm.xlane v3, v0;
	_ =	sdelay $0x1  }
0x18d: {  	v4 =	vadd.s32 v1, v4;
	_ =	sdelay $0x3  }
0x18e: {  	s28 =	simm.s32 $0x1B100;
	v3 =	vperm.xlane v3, v2  }
0x18f: {  	[tilespmem:s28], [sflag:$0x2] =	stream.indirect_vreg.gather [hbm4b:s1+s3], $0x80, v4, vm0, $0xb8;
	[tilespmem:$0x1E100] =	vst v63  }
0x190: {  	s29 =	simm.s32 $0x1B900;
	v3 =	vadd.s32 v1, v3  }
0x191: {  	[tilespmem:s29], [sflag:$0x2] =	stream.indirect_vreg.gather [hbm4b:s5+s3], $0x80, v4, vm0, $0xb8;
	[tilespmem:$0x1E100] =	vst v63  }
0x192: {  	s30 =	simm.s32 $0x1C100  }
0x193: {  	[tilespmem:s30], [sflag:$0x2] =	stream.indirect_vreg.gather [hbm4b:s6+s3], $0x80, v4, vm0, $0xb8;
	[tilespmem:$0x1E100] =	vst v63  }
0x194: {  	s28 =	simm.s32 $0x1C900  }
0x195: {  	[tilespmem:s28], [sflag:$0x2] =	stream.indirect_vreg.gather [hbm4b:s1+s3], $0x80, v3, vm0, $0xb8;
	[tilespmem:$0x1E100] =	vst v63  }
0x196: {  	s29 =	simm.s32 $0x1D100  }
0x197: {  	[tilespmem:s29], [sflag:$0x2] =	stream.indirect_vreg.gather [hbm4b:s5+s3], $0x80, v3, vm0, $0xb8;
	[tilespmem:$0x1E100] =	vst v63  }
0x198: {  	s30 =	simm.s32 $0x1D900  }
0x199: {  	[tilespmem:s30], [sflag:$0x2] =	stream.indirect_vreg.gather [hbm4b:s6+s3], $0x80, v3, vm0, $0xb8;
	[tilespmem:$0x1E100] =	vst v63  }
0x19a: {  	_ =	swait.ge [sflag:s23], $0xF000  }
0x19b: {  	[sflag:s23] =	ssyncset.done $0x0  }
0x19c: {  	s0 =	rddreg [dreg:$0xc];
	[sflag:s23] =	ssyncadd.s32 $0xFFFF1000  }
0x19d: {  	[hbm4b:s0+s3] =	stream.linear.scatter [tilespmem:s9], [sflag:$0x3], $0xF000, $0x38;
	[tilespmem:$0x1E100] =	vst v63  }
0x19e: {  	s30 =	rddreg [dreg:$0xd]  }
0x19f: {  	[hbm4b:s30+s3] =	stream.linear.scatter [tilespmem:s9], [sflag:$0x3], $0xF000, $0x38;
	[tilespmem:$0x1E100] =	vst v63  }
0x1a0: {  	s0 =	rddreg [dreg:$0xe]  }
0x1a1: {  	[hbm4b:s0+s3] =	stream.linear.scatter [tilespmem:s9], [sflag:$0x3], $0xF000, $0x38;
	[tilespmem:$0x1E100] =	vst v63  }
0x1a2: {  	s30 =	rddreg [dreg:$0xf]  }
0x1a3: {  	[hbm4b:s30+s3] =	stream.linear.scatter [tilespmem:s9], [sflag:$0x3], $0xF000, $0x38;
	[tilespmem:$0x1E100] =	vst v63  }
0x1a4: {  	_ =	swait.ge [sflag:s24], $0xF000  }
0x1a5: {  	[sflag:s24] =	ssyncset.done $0x0  }
0x1a6: {  	[sflag:s24] =	ssyncadd.s32 $0xFFFF1000  }
0x1a7: {  	_ =	swait.ge [sflag:s24], $0xF000  }
0x1a8: {  	[sflag:s24] =	ssyncset.done $0x0  }
0x1a9: {  	[sflag:s24] =	ssyncadd.s32 $0xFFFF1000  }
0x1aa: {  	_ =	swait.ge [sflag:s24], $0xF000  }
0x1ab: {  	[sflag:s24] =	ssyncset.done $0x0  }
0x1ac: {  	[sflag:s24] =	ssyncadd.s32 $0xFFFF1000  }
0x1ad: {  	_ =	swait.ge [sflag:s24], $0xF000  }
0x1ae: {  	[sflag:s24] =	ssyncset.done $0x0  }
0x1af: {  	[sflag:s24] =	ssyncadd.s32 $0xFFFF1000  }
0x1b0: {  	_ =	swait.ge [sflag:s25], $0xF000  }
0x1b1: {  	[sflag:s25] =	ssyncset.done $0x0  }
0x1b2: {  	s0 =	rddreg [dreg:$0x10];
	[sflag:s25] =	ssyncadd.s32 $0xFFFF1000  }
0x1b3: {  	[hbm4b:s0+s3] =	stream.linear.scatter [tilespmem:s15], [sflag:$0x4], $0xF000, $0x38;
	[tilespmem:$0x1E100] =	vst v63  }
0x1b4: {  	s30 =	rddreg [dreg:$0x11]  }
0x1b5: {  	[hbm4b:s30+s3] =	stream.linear.scatter [tilespmem:s15], [sflag:$0x4], $0xF000, $0x38;
	[tilespmem:$0x1E100] =	vst v63  }
0x1b6: {  	s0 =	rddreg [dreg:$0x12]  }
0x1b7: {  	[hbm4b:s0+s3] =	stream.linear.scatter [tilespmem:s15], [sflag:$0x4], $0xF000, $0x38;
	[tilespmem:$0x1E100] =	vst v63  }
0x1b8: {  	s30 =	rddreg [dreg:$0x13]  }
0x1b9: {  	[hbm4b:s30+s3] =	stream.linear.scatter [tilespmem:s15], [sflag:$0x4], $0xF000, $0x38;
	[tilespmem:$0x1E100] =	vst v63  }
0x1ba: {  	_ =	swait.ge [sflag:s26], $0xF000  }
0x1bb: {  	[sflag:s26] =	ssyncset.done $0x0  }
0x1bc: {  	[sflag:s26] =	ssyncadd.s32 $0xFFFF1000  }
0x1bd: {  	_ =	swait.ge [sflag:s26], $0xF000  }
0x1be: {  	[sflag:s26] =	ssyncset.done $0x0  }
0x1bf: {  	[sflag:s26] =	ssyncadd.s32 $0xFFFF1000  }
0x1c0: {  	p0 =	sne.s32 s7, $0x1;
	_ =	swait.ge [sflag:s26], $0xF000  }
.Ltmp0:
0x1c1: {  	[sflag:s26] =	ssyncset.done $0x0;
	(pc) =	sbr.rel @p0 .LBB2_1-.Ltmp0, $4  }
0x1c2: {  	[sflag:s26] =	ssyncadd.s32 $0xFFFF1000  }
0x1c3: {  	_ =	swait.ge [sflag:s26], $0xF000  }
0x1c4: {  	[sflag:s26] =	ssyncset.done $0x0  }
0x1c5: {  	s7 =	sadd.s32 $0xFFFFFFFF, s7;
	[sflag:s26] =	ssyncadd.s32 $0xFFFF1000  }
0x1c6: {  	_ =	sfence.sel $0x180000  }
0x1c7: {  	[bflag:$0x0] =	sbarrier.arrive $0xFFFF  }
0x1c8: {  	_ =	strace $0x90000047  }
0x1c9: {  	s0 =	stileid.u32;
	[bflag:$0x2] =	sbarrier.arrive $0xFFFF  }
0x1ca: {  	p0 =	sne.s32 s0, $0x0;
	s0 =	rddreg [dreg:$0x3]  }
0x1cb: {  	s0 =	sadd.s32 @!p0 $0x100000, s0  }
0x1cc: {  	[sflag:s0] =	ssyncadd.tile.s32 @!p0 $0x1;
	_ =	shalt  }
.Lfunc_end2:
_tile_overlayer_lowered:
.L_overlay_start_2:
0x1cd: {  	(tag) =	ssettag $0x2  }
0x1ce: {  	s0 =	rddreg [dreg:$0x0];
	s2 =	stileid.u32  }
0x1cf: {  	s1 =	rddreg [dreg:$0x1];
	p0 =	sne.s32 s2, $0x0  }
0x1d0: {  	s3 =	rddreg [dreg:$0x2];
	[bflag:$0x3] =	sbarrier.arrive $0xFFFF;
	s2 =	simm.s32 @!p0 $0x1C05  }
0x1d1: {  	[timem:s3], [sflag:s2] =	dma.local @!p0 [hbm:s0], s1  }
0x1d2: {  	s0 =	simm.s32 @!p0 $0x5  }
0x1d3: {  	_ =	swait.ge @!p0 [sflag:s0], s1  }
0x1d4: {  	s1 =	ssub.s32 @!p0 $0x0, s1;
	[sflag:s0] =	ssyncset.done @!p0 $0x0  }
0x1d5: {  	[sflag:s0] =	ssyncadd.s32 @!p0 s1  }
0x1d6: {  	[bflag:$0x3] =	sbarrier.arrive $0xFFFF  }
0x1d7: {  	_ =	shalt  }

</sc_bundles>
